<compile_context>
chip_gen: v7x
topology: tpu7x:2x2x1
jax: 0.10.2.dev20260603
libtpu: 0.0.44.dev20260713+nightly
codegen_flags: <defaults>
</compile_context>

<pallas_src>
import functools

import numpy as np

import jax
import jax.numpy as jnp
from jax import lax
from jax.experimental import pallas as pl
from jax.experimental.pallas import tpu as pltpu
from jax.experimental.pallas import tpu_sc as plsc

NC = 2
NS = 16
L = 16
K = 128


def _node_pad(n):
    return -(-(n + 1) // (NS * K)) * (NS * K)


def _deg_call(edge_index, n, e_pad):
    e = edge_index.shape[1]
    nw = NC * NS
    epw = e_pad // nw
    n_pad = _node_pad(n)
    mesh = plsc.VectorSubcoreMesh(core_axis_name="c", subcore_axis_name="s")

    @functools.partial(
        pl.kernel,
        mesh=mesh,
        out_type=jax.ShapeDtypeStruct((nw, n_pad), jnp.float32),
        scratch_types=[
            pltpu.VMEM((epw,), jnp.int32),
            pltpu.VMEM((n_pad,), jnp.float32),
        ],
        compiler_params=pltpu.CompilerParams(needs_layout_passes=False),
    )
    def deg_kernel(ei_hbm, out_hbm, idx_v, deg_v):
        c = lax.axis_index("c")
        s = lax.axis_index("s")
        wid = c * NS + s
        zeros = jnp.zeros((L,), jnp.float32)

        def zbody(i, carry):
            deg_v[pl.ds(i * L, L)] = zeros
            return carry

        lax.fori_loop(0, n_pad // L, zbody, 0)
        ones = jnp.ones((L,), jnp.float32)

        def hbody(i, carry):
            idx = idx_v[pl.ds(i * L, L)]
            plsc.addupdate_scatter(deg_v, [idx], ones)
            return carry

        full_tiles = e // epw
        rem_e = e - full_tiles * epw

        @pl.when(wid < full_tiles)
        def _():
            pltpu.sync_copy(ei_hbm.at[1, pl.ds(wid * epw, epw)], idx_v)
            lax.fori_loop(0, epw // L, hbody, 0)

        if rem_e:
            @pl.when(wid == full_tiles)
            def _():
                pltpu.sync_copy(ei_hbm.at[1, pl.ds(wid * epw, rem_e)],
                                idx_v.at[pl.ds(0, rem_e)])
                lax.fori_loop(0, rem_e // L, hbody, 0)

        pltpu.sync_copy(deg_v, out_hbm.at[wid])

    return deg_kernel(edge_index)


IDX_BITS = 14


def _pack_call(edge_index, pad_pk3, e_pad):
    e = edge_index.shape[1]
    nw = NC * NS
    epw = e_pad // nw
    nchunks = epw // K
    full_tiles = e // epw
    rem_e = e - full_tiles * epw
    mesh = plsc.VectorSubcoreMesh(core_axis_name="c", subcore_axis_name="s")

    @functools.partial(
        pl.kernel,
        mesh=mesh,
        out_type=jax.ShapeDtypeStruct((nw, nchunks, K), jnp.int32),
        scratch_types=[
            pltpu.VMEM((epw,), jnp.int32),
            pltpu.VMEM((epw,), jnp.int32),
            pltpu.VMEM((nchunks, K), jnp.int32),
        ],
    )
    def pack_kernel(ei_hbm, pad_hbm, out_hbm, sidx_v, didx_v, pk_v):
        c = lax.axis_index("c")
        s = lax.axis_index("s")
        wid = c * NS + s
        shift = jnp.full((L,), IDX_BITS, jnp.int32)

        def pbody(r, carry):
            for t in range(K // L):
                o = r * K + t * L
                s_v = sidx_v[pl.ds(o, L)]
                d_v = didx_v[pl.ds(o, L)]
                pk_v[r, pl.ds(t * L, L)] = jnp.bitwise_or(
                    lax.shift_left(d_v, shift), s_v)
            return carry

        @pl.when(wid < full_tiles)
        def _():
            pltpu.sync_copy(ei_hbm.at[0, pl.ds(wid * epw, epw)], sidx_v)
            pltpu.sync_copy(ei_hbm.at[1, pl.ds(wid * epw, epw)], didx_v)
            lax.fori_loop(0, nchunks, pbody, 0)

        if rem_e:
            @pl.when(wid == full_tiles)
            def _():
                pltpu.sync_copy(ei_hbm.at[0, pl.ds(wid * epw, rem_e)],
                                sidx_v.at[pl.ds(0, rem_e)])
                pltpu.sync_copy(ei_hbm.at[1, pl.ds(wid * epw, rem_e)],
                                didx_v.at[pl.ds(0, rem_e)])
                lax.fori_loop(0, rem_e // K, pbody, 0)
                pltpu.sync_copy(pad_hbm,
                                pk_v.at[pl.ds(rem_e // K, pad_pk3.shape[0])])

        pltpu.sync_copy(pk_v, out_hbm.at[wid])

    return pack_kernel(edge_index, pad_pk3)


def _scatter_call(hp, packed3):
    n, d = hp.shape
    nw, nchunks, _ = packed3.shape
    n_pad = _node_pad(n)
    zpt = n_pad // NS
    mesh = plsc.VectorSubcoreMesh(core_axis_name="c", subcore_axis_name="s")

    @functools.partial(
        pl.kernel,
        mesh=mesh,
        out_type=jax.ShapeDtypeStruct((NC, n_pad, d), jnp.float32),
        scratch_types=(
            [pltpu.VMEM((nchunks, K), jnp.int32)]
            + [pltpu.VMEM((K,), jnp.int32)] * 4
            + [pltpu.VMEM((K, d), jnp.float32)] * 2
            + [pltpu.VMEM_SHARED((n_pad, d), jnp.float32)]
            + [pltpu.SemaphoreType.DMA] * 4
        ),
    )
    def scat_kernel(hp_hbm, pk_hbm, out_hbm, *scr):
        ptab = scr[0]
        sbuf = scr[1:3]
        dbuf = scr[3:5]
        bufs = scr[5:7]
        acc_sh = scr[7]
        gsem = scr[8:10]
        ssem = scr[10:12]
        c = lax.axis_index("c")
        s = lax.axis_index("s")
        wid = c * NS + s
        pltpu.sync_copy(pk_hbm.at[wid], ptab)
        zeros = jnp.zeros((L,), jnp.float32)
        cols = d // L

        def zbody(i, carry):
            for c2 in range(cols):
                bufs[0][i, pl.ds(c2 * L, L)] = zeros
            return carry

        lax.fori_loop(0, K, zbody, 0)
        for k2 in range(zpt // K):
            pltpu.sync_copy(bufs[0], acc_sh.at[pl.ds(s * zpt + k2 * K, K)])

        mask = jnp.full((L,), (1 << IDX_BITS) - 1, jnp.int32)
        shift = jnp.full((L,), IDX_BITS, jnp.int32)

        def unpack(j, b):
            for t in range(K // L):
                p = ptab[j, pl.ds(t * L, L)]
                sbuf[b][pl.ds(t * L, L)] = p & mask
                dbuf[b][pl.ds(t * L, L)] = lax.shift_right_logical(p, shift)

        def gather_start(j, b):
            unpack(j, b)
            pltpu.async_copy(hp_hbm.at[sbuf[b]], bufs[b], gsem[b])

        def scatter_start(b):
            pltpu.async_copy(bufs[b], acc_sh.at[dbuf[b]], ssem[b], add=True)

        def wait_chunk(sem, b):
            pltpu.make_async_copy(hp_hbm.at[pl.ds(0, K)], bufs[b], sem).wait()

        plsc.subcore_barrier()

        def body(g, carry):
            for b in range(2):
                j = 2 * g + b

                @pl.when(g > 0)
                def _():
                    wait_chunk(ssem[b], b)
                gather_start(j, b)
                if b == 0:
                    @pl.when(g > 0)
                    def _():
                        wait_chunk(gsem[1], 1)
                        scatter_start(1)
                else:
                    wait_chunk(gsem[0], 0)
                    scatter_start(0)
            return carry

        lax.fori_loop(0, nchunks // 2, body, 0)
        wait_chunk(gsem[1], 1)
        scatter_start(1)
        wait_chunk(ssem[0], 0)
        wait_chunk(ssem[1], 1)
        plsc.subcore_barrier()
        pltpu.sync_copy(acc_sh.at[pl.ds(s * zpt, zpt)],
                        out_hbm.at[c, pl.ds(s * zpt, zpt)])

    return scat_kernel(hp, packed3)


def _dinv_cols(dp_block):
    nw = dp_block.shape[1]
    ones = jnp.ones((nw, 1), jnp.float32)
    deg = jnp.dot(dp_block, ones, preferred_element_type=jnp.float32)
    return lax.rsqrt(deg + 1.0)


def _matmul_call(x, W, deg_t):
    n, d = x.shape
    nw = deg_t.shape[1]
    blk = 2000
    grid = n // blk

    def body(x_ref, w_ref, dp_ref, o_ref):
        dinv = _dinv_cols(dp_ref[...])
        h = jnp.dot(x_ref[...], w_ref[...],
                    preferred_element_type=jnp.float32)
        o_ref[...] = h * dinv

    return pl.pallas_call(
        body,
        grid=(grid,),
        in_specs=[
            pl.BlockSpec((blk, d), lambda i: (i, 0)),
            pl.BlockSpec((d, d), lambda i: (0, 0)),
            pl.BlockSpec((blk, nw), lambda i: (i, 0)),
        ],
        out_specs=pl.BlockSpec((blk, d), lambda i: (i, 0)),
        out_shape=jax.ShapeDtypeStruct((n, d), jnp.float32),
    )(x, W, deg_t)


def _epilogue_call(x, hp, s_parts, deg_t, b2):
    n, d = x.shape
    nw = deg_t.shape[1]
    blk = 2000
    grid = n // blk

    def body(x_ref, hp_ref, s0_ref, s1_ref, dp_ref, b_ref, o_ref):
        dinv = _dinv_cols(dp_ref[...])
        stot = (s0_ref[...].reshape(blk, d) + s1_ref[...].reshape(blk, d)
                + hp_ref[...])
        agg = stot * dinv + b_ref[...]
        o_ref[...] = x_ref[...] + jnp.maximum(agg, 0.0)

    return pl.pallas_call(
        body,
        grid=(grid,),
        in_specs=[
            pl.BlockSpec((blk, d), lambda i: (i, 0)),
            pl.BlockSpec((blk, d), lambda i: (i, 0)),
            pl.BlockSpec((1, blk, d), lambda i: (0, i, 0)),
            pl.BlockSpec((1, blk, d), lambda i: (1, i, 0)),
            pl.BlockSpec((blk, nw), lambda i: (i, 0)),
            pl.BlockSpec((1, d), lambda i: (0, 0)),
        ],
        out_specs=pl.BlockSpec((blk, d), lambda i: (i, 0)),
        out_shape=jax.ShapeDtypeStruct((n, d), jnp.float32),
    )(x, hp, s_parts, s_parts, deg_t, b2)


def kernel(x, edge_index, W, b):
    n, d = x.shape
    e = edge_index.shape[1]
    cpt = NC * NS * K * 2
    e_pad = -(-e // cpt) * cpt
    pad = e_pad - e
    pi = np.arange(pad, dtype=np.int64)
    pad_pk = (((n + pi % (_node_pad(n) - n)) << IDX_BITS)
              | (pi % n)).astype(np.int32)
    pad_pk3 = jnp.asarray(pad_pk.reshape(pad // K, K))

    deg_parts = _deg_call(edge_index, n, e_pad)
    packed3 = _pack_call(edge_index, pad_pk3, e_pad)
    deg_t = deg_parts.T
    hp = _matmul_call(x, W, deg_t)
    s_parts = _scatter_call(hp, packed3)
    y = _epilogue_call(x, hp, s_parts, deg_t, b.reshape(1, d))
    return y

# --- scband reference (transcript-rebuilt; emitter-appended) ---
"""Pipeline reference for scband-gcnconv-gnnlayer-34772055229050 (READ-ONLY COPY).

The authoritative reference and input builder live on the scoring server;
editing this copy changes nothing except your own understanding.
"""

import jax, jax.numpy as jnp
import numpy as np

N = 10000
E = 320000
D = 128

def setup_inputs(seed: int = 0) -> dict:
    key = jax.random.key(seed)
    k1, k2, k3 = jax.random.split(key, 3)
    x = jax.random.normal(k1, (N, D), dtype=jnp.float32)
    edge_index = jax.random.randint(k2, (2, E), 0, N, dtype=jnp.int32)
    # GCNConv learned parameters: weight [in, out] and bias [out]
    W = jax.random.normal(k3, (D, D), dtype=jnp.float32) * 0.05
    b = jnp.zeros((D,), dtype=jnp.float32)
    return {"x": x, "edge_index": edge_index, "W": W, "b": b}

def reference(x, edge_index, W, b):
    # GCNConv with normalize=True (normalize='dir'), add_self_loops=True
    n = x.shape[0]
    sl = jnp.arange(n, dtype=edge_index.dtype)
    src = jnp.concatenate([edge_index[0], sl])
    dst = jnp.concatenate([edge_index[1], sl])
    ew = jnp.ones(src.shape[0], dtype=x.dtype)
    # symmetric normalization D^{-1/2} (A+I) D^{-1/2}
    deg = jnp.zeros((n,), dtype=x.dtype).at[dst].add(ew)
    dinv = jnp.where(deg > 0, jax.lax.rsqrt(deg), 0.0)
    norm = dinv[src] * dinv[dst]
    # linear transform then propagate (gather from src, scatter-add to dst)
    h = x @ W
    msg = h[src] * norm[:, None]
    agg = jnp.zeros_like(h).at[dst].add(msg)
    out = agg + b
    # activation -> dropout(p=0, identity in eval) -> node residual
    y = jax.nn.relu(out)
    y = x + y
    return y

if __name__ == "__main__":
    import jax
    _d = setup_inputs()
    print(jax.jit(kernel)(*tuple(_d.values())))

</pallas_src>

<mosaic_0001>
#map = affine_map<(d0, d1) -> (0, 0)>
#map1 = affine_map<(d0, d1) -> (0, 0, 0)>
module attributes {stable_mosaic.version = 14 : i64} {
  func.func @pack_kernel(%arg0: i32, %arg1: i32, %arg2: memref<2x320000xi32, #tpu.memory_space<hbm>>, %arg3: memref<60x128xi32, #tpu.memory_space<hbm>>, %arg4: memref<32x80x128xi32, #tpu.memory_space<hbm>>, %arg5: memref<10240xi32, #tpu.memory_space<vmem>>, %arg6: memref<10240xi32, #tpu.memory_space<vmem>>, %arg7: memref<80x128xi32, #tpu.memory_space<vmem>>) attributes {dimension_semantics = [#tpu.dimension_semantics<core_parallel>, #tpu.dimension_semantics<subcore_parallel>], iteration_bounds = array<i64: 2, 16>, scalar_prefetch = 0 : i64, scratch_operands = 3 : i64, tpu.core_type = #tpu.core_type<sc_vector_subcore>, window_params = [{transform_indices = #map}, {transform_indices = #map}, {transform_indices = #map1}]} {
    %mul3A = arith.constant 16 : i32
    %mul3A_0 = arith.muli %arg0, %mul3A : i32
    %add3A = arith.addi %mul3A_0, %arg1 : i32
    %broadcast_in_dim3A = arith.constant 14 : i32
    %broadcast_in_dim3A_1 = vector.broadcast %broadcast_in_dim3A : i32 to vector<16xi32>
    %lt3A = arith.constant 31 : i32
    %lt3A_2 = arith.cmpi slt, %add3A, %lt3A : i32
    %convert_element_type3A = arith.extui %lt3A_2 : i1 to i32
    %cond3A = arith.constant 0 : i32
    %cond3A_3 = arith.cmpi ne, %convert_element_type3A, %cond3A : i32
    scf.if %cond3A_3 {
      %mul3A_8 = arith.constant 10240 : i32
      %mul3A_9 = arith.muli %add3A, %mul3A_8 : i32
      %run_scoped3A = arith.constant 0 : i32
      "tpu.region"() ({
        %run_scoped3A_18 = tpu.sem_alloc : memref<!tpu.dma_semaphore, #tpu.memory_space<semaphore_mem>>
        %dma_start3A = tpu.memref_slice %arg2[%run_scoped3A, %mul3A_9] : memref<2x320000xi32, #tpu.memory_space<hbm>> -> memref<1x10240xi32, #tpu.memory_space<hbm>>
        %dma_start3A_19 = tpu.memref_squeeze %dma_start3A : memref<1x10240xi32, #tpu.memory_space<hbm>> -> memref<10240xi32, #tpu.memory_space<hbm>>
        %dma_start3A_20 = tpu.memref_slice %arg2[%run_scoped3A, %mul3A_9] : memref<2x320000xi32, #tpu.memory_space<hbm>> -> memref<1x10240xi32, #tpu.memory_space<hbm>>
        %dma_start3A_21 = tpu.memref_squeeze %dma_start3A_20 : memref<1x10240xi32, #tpu.memory_space<hbm>> -> memref<10240xi32, #tpu.memory_space<hbm>>
        tpu.enqueue_dma source(%dma_start3A_21 : memref<10240xi32, #tpu.memory_space<hbm>>) target(%arg5 : memref<10240xi32, #tpu.memory_space<vmem>>) target_semaphore(%run_scoped3A_18 : memref<!tpu.dma_semaphore, #tpu.memory_space<semaphore_mem>>)
        %dma_wait3A = tpu.memref_slice %arg2[%run_scoped3A, %mul3A_9] : memref<2x320000xi32, #tpu.memory_space<hbm>> -> memref<1x10240xi32, #tpu.memory_space<hbm>>
        %dma_wait3A_22 = tpu.memref_squeeze %dma_wait3A : memref<1x10240xi32, #tpu.memory_space<hbm>> -> memref<10240xi32, #tpu.memory_space<hbm>>
        %dma_wait3A_23 = tpu.memref_slice %arg2[%run_scoped3A, %mul3A_9] : memref<2x320000xi32, #tpu.memory_space<hbm>> -> memref<1x10240xi32, #tpu.memory_space<hbm>>
        %dma_wait3A_24 = tpu.memref_squeeze %dma_wait3A_23 : memref<1x10240xi32, #tpu.memory_space<hbm>> -> memref<10240xi32, #tpu.memory_space<hbm>>
        tpu.wait_dma2 semaphore(%run_scoped3A_18 : memref<!tpu.dma_semaphore, #tpu.memory_space<semaphore_mem>>) src(%dma_wait3A_24 : memref<10240xi32, #tpu.memory_space<hbm>>) dst(%arg5 : memref<10240xi32, #tpu.memory_space<vmem>>)
        tpu.yield
      }) : () -> ()
      %mul3A_10 = arith.constant 10240 : i32
      %mul3A_11 = arith.muli %add3A, %mul3A_10 : i32
      %run_scoped3A_12 = arith.constant 1 : i32
      "tpu.region"() ({
        %run_scoped3A_18 = tpu.sem_alloc : memref<!tpu.dma_semaphore, #tpu.memory_space<semaphore_mem>>
        %dma_start3A = tpu.memref_slice %arg2[%run_scoped3A_12, %mul3A_11] : memref<2x320000xi32, #tpu.memory_space<hbm>> -> memref<1x10240xi32, #tpu.memory_space<hbm>>
        %dma_start3A_19 = tpu.memref_squeeze %dma_start3A : memref<1x10240xi32, #tpu.memory_space<hbm>> -> memref<10240xi32, #tpu.memory_space<hbm>>
        %dma_start3A_20 = tpu.memref_slice %arg2[%run_scoped3A_12, %mul3A_11] : memref<2x320000xi32, #tpu.memory_space<hbm>> -> memref<1x10240xi32, #tpu.memory_space<hbm>>
        %dma_start3A_21 = tpu.memref_squeeze %dma_start3A_20 : memref<1x10240xi32, #tpu.memory_space<hbm>> -> memref<10240xi32, #tpu.memory_space<hbm>>
        tpu.enqueue_dma source(%dma_start3A_21 : memref<10240xi32, #tpu.memory_space<hbm>>) target(%arg6 : memref<10240xi32, #tpu.memory_space<vmem>>) target_semaphore(%run_scoped3A_18 : memref<!tpu.dma_semaphore, #tpu.memory_space<semaphore_mem>>)
        %dma_wait3A = tpu.memref_slice %arg2[%run_scoped3A_12, %mul3A_11] : memref<2x320000xi32, #tpu.memory_space<hbm>> -> memref<1x10240xi32, #tpu.memory_space<hbm>>
        %dma_wait3A_22 = tpu.memref_squeeze %dma_wait3A : memref<1x10240xi32, #tpu.memory_space<hbm>> -> memref<10240xi32, #tpu.memory_space<hbm>>
        %dma_wait3A_23 = tpu.memref_slice %arg2[%run_scoped3A_12, %mul3A_11] : memref<2x320000xi32, #tpu.memory_space<hbm>> -> memref<1x10240xi32, #tpu.memory_space<hbm>>
        %dma_wait3A_24 = tpu.memref_squeeze %dma_wait3A_23 : memref<1x10240xi32, #tpu.memory_space<hbm>> -> memref<10240xi32, #tpu.memory_space<hbm>>
        tpu.wait_dma2 semaphore(%run_scoped3A_18 : memref<!tpu.dma_semaphore, #tpu.memory_space<semaphore_mem>>) src(%dma_wait3A_24 : memref<10240xi32, #tpu.memory_space<hbm>>) dst(%arg6 : memref<10240xi32, #tpu.memory_space<vmem>>)
        tpu.yield
      }) : () -> ()
      %scan3A = arith.constant 0 : i32
      %scan3A_13 = arith.constant 0 : i32
      %scan3A_14 = arith.constant 80 : i32
      %scan3A_15 = arith.addi %scan3A_13, %scan3A_14 : i32
      %scan3A_16 = arith.constant 1 : i32
      scf.for %scan3A_18 = %scan3A_13 to %scan3A_15 step %scan3A_16  : i32 {
        %mul3A_19 = arith.constant 128 : i32
        %mul3A_20 = arith.muli %scan3A_18, %mul3A_19 : i32
        %add3A_21 = arith.constant 0 : i32
        %add3A_22 = arith.addi %mul3A_20, %add3A_21 : i32
        %get3A = arith.index_cast %add3A_22 : i32 to index
        %get3A_23 = tpu.vector_load %arg5[%get3A] {strides = array<i32>} : memref<10240xi32, #tpu.memory_space<vmem>>, vector<16xi32>,
        %get3A_24 = arith.index_cast %add3A_22 : i32 to index
        %get3A_25 = tpu.vector_load %arg6[%get3A_24] {strides = array<i32>} : memref<10240xi32, #tpu.memory_space<vmem>>, vector<16xi32>,
        %shift_left3A = arith.shli %get3A_25, %broadcast_in_dim3A_1 : vector<16xi32>
        %or3A = arith.ori %shift_left3A, %get3A_23 : vector<16xi32>
        %swap3A = arith.index_cast %scan3A_18 : i32 to index
        %swap3A_26 = arith.constant 0 : index
        %swap3A_27 = tpu.vector_load %arg7[%swap3A, %swap3A_26] {strides = array<i32>} : memref<80x128xi32, #tpu.memory_space<vmem>>, vector<1x16xi32>,
        %swap3A_28 = vector.shape_cast %swap3A_27 : vector<1x16xi32> to vector<16xi32>
        %swap3A_29 = vector.shape_cast %or3A : vector<16xi32> to vector<1x16xi32>
        tpu.vector_store %arg7[%swap3A, %swap3A_26], %swap3A_29 {strides = array<i32>} : memref<80x128xi32, #tpu.memory_space<vmem>>, vector<1x16xi32>,
        %mul3A_30 = arith.constant 128 : i32
        %mul3A_31 = arith.muli %scan3A_18, %mul3A_30 : i32
        %add3A_32 = arith.constant 16 : i32
        %add3A_33 = arith.addi %mul3A_31, %add3A_32 : i32
        %get3A_34 = arith.index_cast %add3A_33 : i32 to index
        %get3A_35 = tpu.vector_load %arg5[%get3A_34] {strides = array<i32>} : memref<10240xi32, #tpu.memory_space<vmem>>, vector<16xi32>,
        %get3A_36 = arith.index_cast %add3A_33 : i32 to index
        %get3A_37 = tpu.vector_load %arg6[%get3A_36] {strides = array<i32>} : memref<10240xi32, #tpu.memory_space<vmem>>, vector<16xi32>,
        %shift_left3A_38 = arith.shli %get3A_37, %broadcast_in_dim3A_1 : vector<16xi32>
        %or3A_39 = arith.ori %shift_left3A_38, %get3A_35 : vector<16xi32>
        %swap3A_40 = arith.index_cast %scan3A_18 : i32 to index
        %swap3A_41 = arith.constant 16 : index
        %swap3A_42 = tpu.vector_load %arg7[%swap3A_40, %swap3A_41] {strides = array<i32>} : memref<80x128xi32, #tpu.memory_space<vmem>>, vector<1x16xi32>,
        %swap3A_43 = vector.shape_cast %swap3A_42 : vector<1x16xi32> to vector<16xi32>
        %swap3A_44 = vector.shape_cast %or3A_39 : vector<16xi32> to vector<1x16xi32>
        tpu.vector_store %arg7[%swap3A_40, %swap3A_41], %swap3A_44 {strides = array<i32>} : memref<80x128xi32, #tpu.memory_space<vmem>>, vector<1x16xi32>,
        %mul3A_45 = arith.constant 128 : i32
        %mul3A_46 = arith.muli %scan3A_18, %mul3A_45 : i32
        %add3A_47 = arith.constant 32 : i32
        %add3A_48 = arith.addi %mul3A_46, %add3A_47 : i32
        %get3A_49 = arith.index_cast %add3A_48 : i32 to index
        %get3A_50 = tpu.vector_load %arg5[%get3A_49] {strides = array<i32>} : memref<10240xi32, #tpu.memory_space<vmem>>, vector<16xi32>,
        %get3A_51 = arith.index_cast %add3A_48 : i32 to index
        %get3A_52 = tpu.vector_load %arg6[%get3A_51] {strides = array<i32>} : memref<10240xi32, #tpu.memory_space<vmem>>, vector<16xi32>,
        %shift_left3A_53 = arith.shli %get3A_52, %broadcast_in_dim3A_1 : vector<16xi32>
        %or3A_54 = arith.ori %shift_left3A_53, %get3A_50 : vector<16xi32>
        %swap3A_55 = arith.index_cast %scan3A_18 : i32 to index
        %swap3A_56 = arith.constant 32 : index
        %swap3A_57 = tpu.vector_load %arg7[%swap3A_55, %swap3A_56] {strides = array<i32>} : memref<80x128xi32, #tpu.memory_space<vmem>>, vector<1x16xi32>,
        %swap3A_58 = vector.shape_cast %swap3A_57 : vector<1x16xi32> to vector<16xi32>
        %swap3A_59 = vector.shape_cast %or3A_54 : vector<16xi32> to vector<1x16xi32>
        tpu.vector_store %arg7[%swap3A_55, %swap3A_56], %swap3A_59 {strides = array<i32>} : memref<80x128xi32, #tpu.memory_space<vmem>>, vector<1x16xi32>,
        %mul3A_60 = arith.constant 128 : i32
        %mul3A_61 = arith.muli %scan3A_18, %mul3A_60 : i32
        %add3A_62 = arith.constant 48 : i32
        %add3A_63 = arith.addi %mul3A_61, %add3A_62 : i32
        %get3A_64 = arith.index_cast %add3A_63 : i32 to index
        %get3A_65 = tpu.vector_load %arg5[%get3A_64] {strides = array<i32>} : memref<10240xi32, #tpu.memory_space<vmem>>, vector<16xi32>,
        %get3A_66 = arith.index_cast %add3A_63 : i32 to index
        %get3A_67 = tpu.vector_load %arg6[%get3A_66] {strides = array<i32>} : memref<10240xi32, #tpu.memory_space<vmem>>, vector<16xi32>,
        %shift_left3A_68 = arith.shli %get3A_67, %broadcast_in_dim3A_1 : vector<16xi32>
        %or3A_69 = arith.ori %shift_left3A_68, %get3A_65 : vector<16xi32>
        %swap3A_70 = arith.index_cast %scan3A_18 : i32 to index
        %swap3A_71 = arith.constant 48 : index
        %swap3A_72 = tpu.vector_load %arg7[%swap3A_70, %swap3A_71] {strides = array<i32>} : memref<80x128xi32, #tpu.memory_space<vmem>>, vector<1x16xi32>,
        %swap3A_73 = vector.shape_cast %swap3A_72 : vector<1x16xi32> to vector<16xi32>
        %swap3A_74 = vector.shape_cast %or3A_69 : vector<16xi32> to vector<1x16xi32>
        tpu.vector_store %arg7[%swap3A_70, %swap3A_71], %swap3A_74 {strides = array<i32>} : memref<80x128xi32, #tpu.memory_space<vmem>>, vector<1x16xi32>,
        %mul3A_75 = arith.constant 128 : i32
        %mul3A_76 = arith.muli %scan3A_18, %mul3A_75 : i32
        %add3A_77 = arith.constant 64 : i32
        %add3A_78 = arith.addi %mul3A_76, %add3A_77 : i32
        %get3A_79 = arith.index_cast %add3A_78 : i32 to index
        %get3A_80 = tpu.vector_load %arg5[%get3A_79] {strides = array<i32>} : memref<10240xi32, #tpu.memory_space<vmem>>, vector<16xi32>,
        %get3A_81 = arith.index_cast %add3A_78 : i32 to index
        %get3A_82 = tpu.vector_load %arg6[%get3A_81] {strides = array<i32>} : memref<10240xi32, #tpu.memory_space<vmem>>, vector<16xi32>,
        %shift_left3A_83 = arith.shli %get3A_82, %broadcast_in_dim3A_1 : vector<16xi32>
        %or3A_84 = arith.ori %shift_left3A_83, %get3A_80 : vector<16xi32>
        %swap3A_85 = arith.index_cast %scan3A_18 : i32 to index
        %swap3A_86 = arith.constant 64 : index
        %swap3A_87 = tpu.vector_load %arg7[%swap3A_85, %swap3A_86] {strides = array<i32>} : memref<80x128xi32, #tpu.memory_space<vmem>>, vector<1x16xi32>,
        %swap3A_88 = vector.shape_cast %swap3A_87 : vector<1x16xi32> to vector<16xi32>
        %swap3A_89 = vector.shape_cast %or3A_84 : vector<16xi32> to vector<1x16xi32>
        tpu.vector_store %arg7[%swap3A_85, %swap3A_86], %swap3A_89 {strides = array<i32>} : memref<80x128xi32, #tpu.memory_space<vmem>>, vector<1x16xi32>,
        %mul3A_90 = arith.constant 128 : i32
        %mul3A_91 = arith.muli %scan3A_18, %mul3A_90 : i32
        %add3A_92 = arith.constant 80 : i32
        %add3A_93 = arith.addi %mul3A_91, %add3A_92 : i32
        %get3A_94 = arith.index_cast %add3A_93 : i32 to index
        %get3A_95 = tpu.vector_load %arg5[%get3A_94] {strides = array<i32>} : memref<10240xi32, #tpu.memory_space<vmem>>, vector<16xi32>,
        %get3A_96 = arith.index_cast %add3A_93 : i32 to index
        %get3A_97 = tpu.vector_load %arg6[%get3A_96] {strides = array<i32>} : memref<10240xi32, #tpu.memory_space<vmem>>, vector<16xi32>,
        %shift_left3A_98 = arith.shli %get3A_97, %broadcast_in_dim3A_1 : vector<16xi32>
        %or3A_99 = arith.ori %shift_left3A_98, %get3A_95 : vector<16xi32>
        %swap3A_100 = arith.index_cast %scan3A_18 : i32 to index
        %swap3A_101 = arith.constant 80 : index
        %swap3A_102 = tpu.vector_load %arg7[%swap3A_100, %swap3A_101] {strides = array<i32>} : memref<80x128xi32, #tpu.memory_space<vmem>>, vector<1x16xi32>,
        %swap3A_103 = vector.shape_cast %swap3A_102 : vector<1x16xi32> to vector<16xi32>
        %swap3A_104 = vector.shape_cast %or3A_99 : vector<16xi32> to vector<1x16xi32>
        tpu.vector_store %arg7[%swap3A_100, %swap3A_101], %swap3A_104 {strides = array<i32>} : memref<80x128xi32, #tpu.memory_space<vmem>>, vector<1x16xi32>,
        %mul3A_105 = arith.constant 128 : i32
        %mul3A_106 = arith.muli %scan3A_18, %mul3A_105 : i32
        %add3A_107 = arith.constant 96 : i32
        %add3A_108 = arith.addi %mul3A_106, %add3A_107 : i32
        %get3A_109 = arith.index_cast %add3A_108 : i32 to index
        %get3A_110 = tpu.vector_load %arg5[%get3A_109] {strides = array<i32>} : memref<10240xi32, #tpu.memory_space<vmem>>, vector<16xi32>,
        %get3A_111 = arith.index_cast %add3A_108 : i32 to index
        %get3A_112 = tpu.vector_load %arg6[%get3A_111] {strides = array<i32>} : memref<10240xi32, #tpu.memory_space<vmem>>, vector<16xi32>,
        %shift_left3A_113 = arith.shli %get3A_112, %broadcast_in_dim3A_1 : vector<16xi32>
        %or3A_114 = arith.ori %shift_left3A_113, %get3A_110 : vector<16xi32>
        %swap3A_115 = arith.index_cast %scan3A_18 : i32 to index
        %swap3A_116 = arith.constant 96 : index
        %swap3A_117 = tpu.vector_load %arg7[%swap3A_115, %swap3A_116] {strides = array<i32>} : memref<80x128xi32, #tpu.memory_space<vmem>>, vector<1x16xi32>,
        %swap3A_118 = vector.shape_cast %swap3A_117 : vector<1x16xi32> to vector<16xi32>
        %swap3A_119 = vector.shape_cast %or3A_114 : vector<16xi32> to vector<1x16xi32>
        tpu.vector_store %arg7[%swap3A_115, %swap3A_116], %swap3A_119 {strides = array<i32>} : memref<80x128xi32, #tpu.memory_space<vmem>>, vector<1x16xi32>,
        %mul3A_120 = arith.constant 128 : i32
        %mul3A_121 = arith.muli %scan3A_18, %mul3A_120 : i32
        %add3A_122 = arith.constant 112 : i32
        %add3A_123 = arith.addi %mul3A_121, %add3A_122 : i32
        %get3A_124 = arith.index_cast %add3A_123 : i32 to index
        %get3A_125 = tpu.vector_load %arg5[%get3A_124] {strides = array<i32>} : memref<10240xi32, #tpu.memory_space<vmem>>, vector<16xi32>,
        %get3A_126 = arith.index_cast %add3A_123 : i32 to index
        %get3A_127 = tpu.vector_load %arg6[%get3A_126] {strides = array<i32>} : memref<10240xi32, #tpu.memory_space<vmem>>, vector<16xi32>,
        %shift_left3A_128 = arith.shli %get3A_127, %broadcast_in_dim3A_1 : vector<16xi32>
        %or3A_129 = arith.ori %shift_left3A_128, %get3A_125 : vector<16xi32>
        %swap3A_130 = arith.index_cast %scan3A_18 : i32 to index
        %swap3A_131 = arith.constant 112 : index
        %swap3A_132 = tpu.vector_load %arg7[%swap3A_130, %swap3A_131] {strides = array<i32>} : memref<80x128xi32, #tpu.memory_space<vmem>>, vector<1x16xi32>,
        %swap3A_133 = vector.shape_cast %swap3A_132 : vector<1x16xi32> to vector<16xi32>
        %swap3A_134 = vector.shape_cast %or3A_129 : vector<16xi32> to vector<1x16xi32>
        tpu.vector_store %arg7[%swap3A_130, %swap3A_131], %swap3A_134 {strides = array<i32>} : memref<80x128xi32, #tpu.memory_space<vmem>>, vector<1x16xi32>,
      }
      %scan3A_17 = arith.constant 80 : i32
    } else {
    }
    %eq3A = arith.constant 31 : i32
    %eq3A_4 = arith.cmpi eq, %add3A, %eq3A : i32
    %convert_element_type3A_5 = arith.extui %eq3A_4 : i1 to i32
    %cond3A_6 = arith.constant 0 : i32
    %cond3A_7 = arith.cmpi ne, %convert_element_type3A_5, %cond3A_6 : i32
    scf.if %cond3A_7 {
      %mul3A_8 = arith.constant 10240 : i32
      %mul3A_9 = arith.muli %add3A, %mul3A_8 : i32
      %run_scoped3A = arith.constant 0 : i32
      "tpu.region"() ({
        %run_scoped3A_18 = tpu.sem_alloc : memref<!tpu.dma_semaphore, #tpu.memory_space<semaphore_mem>>
        %dma_start3A = arith.constant 0 : i32
        %dma_start3A_19 = tpu.memref_slice %arg5[%dma_start3A] : memref<10240xi32, #tpu.memory_space<vmem>> -> memref<2560xi32, #tpu.memory_space<vmem>>
        %dma_start3A_20 = tpu.memref_slice %arg2[%run_scoped3A, %mul3A_9] : memref<2x320000xi32, #tpu.memory_space<hbm>> -> memref<1x2560xi32, #tpu.memory_space<hbm>>
        %dma_start3A_21 = tpu.memref_squeeze %dma_start3A_20 : memref<1x2560xi32, #tpu.memory_space<hbm>> -> memref<2560xi32, #tpu.memory_space<hbm>>
        %dma_start3A_22 = arith.constant 0 : i32
        %dma_start3A_23 = tpu.memref_slice %arg5[%dma_start3A_22] : memref<10240xi32, #tpu.memory_space<vmem>> -> memref<2560xi32, #tpu.memory_space<vmem>>
        %dma_start3A_24 = tpu.memref_slice %arg2[%run_scoped3A, %mul3A_9] : memref<2x320000xi32, #tpu.memory_space<hbm>> -> memref<1x2560xi32, #tpu.memory_space<hbm>>
        %dma_start3A_25 = tpu.memref_squeeze %dma_start3A_24 : memref<1x2560xi32, #tpu.memory_space<hbm>> -> memref<2560xi32, #tpu.memory_space<hbm>>
        tpu.enqueue_dma source(%dma_start3A_25 : memref<2560xi32, #tpu.memory_space<hbm>>) target(%dma_start3A_23 : memref<2560xi32, #tpu.memory_space<vmem>>) target_semaphore(%run_scoped3A_18 : memref<!tpu.dma_semaphore, #tpu.memory_space<semaphore_mem>>)
        %dma_wait3A = arith.constant 0 : i32
        %dma_wait3A_26 = tpu.memref_slice %arg5[%dma_wait3A] : memref<10240xi32, #tpu.memory_space<vmem>> -> memref<2560xi32, #tpu.memory_space<vmem>>
        %dma_wait3A_27 = tpu.memref_slice %arg2[%run_scoped3A, %mul3A_9] : memref<2x320000xi32, #tpu.memory_space<hbm>> -> memref<1x2560xi32, #tpu.memory_space<hbm>>
        %dma_wait3A_28 = tpu.memref_squeeze %dma_wait3A_27 : memref<1x2560xi32, #tpu.memory_space<hbm>> -> memref<2560xi32, #tpu.memory_space<hbm>>
        %dma_wait3A_29 = arith.constant 0 : i32
        %dma_wait3A_30 = tpu.memref_slice %arg5[%dma_wait3A_29] : memref<10240xi32, #tpu.memory_space<vmem>> -> memref<2560xi32, #tpu.memory_space<vmem>>
        %dma_wait3A_31 = tpu.memref_slice %arg2[%run_scoped3A, %mul3A_9] : memref<2x320000xi32, #tpu.memory_space<hbm>> -> memref<1x2560xi32, #tpu.memory_space<hbm>>
        %dma_wait3A_32 = tpu.memref_squeeze %dma_wait3A_31 : memref<1x2560xi32, #tpu.memory_space<hbm>> -> memref<2560xi32, #tpu.memory_space<hbm>>
        tpu.wait_dma2 semaphore(%run_scoped3A_18 : memref<!tpu.dma_semaphore, #tpu.memory_space<semaphore_mem>>) src(%dma_wait3A_32 : memref<2560xi32, #tpu.memory_space<hbm>>) dst(%dma_wait3A_30 : memref<2560xi32, #tpu.memory_space<vmem>>)
        tpu.yield
      }) : () -> ()
      %mul3A_10 = arith.constant 10240 : i32
      %mul3A_11 = arith.muli %add3A, %mul3A_10 : i32
      %run_scoped3A_12 = arith.constant 1 : i32
      "tpu.region"() ({
        %run_scoped3A_18 = tpu.sem_alloc : memref<!tpu.dma_semaphore, #tpu.memory_space<semaphore_mem>>
        %dma_start3A = arith.constant 0 : i32
        %dma_start3A_19 = tpu.memref_slice %arg6[%dma_start3A] : memref<10240xi32, #tpu.memory_space<vmem>> -> memref<2560xi32, #tpu.memory_space<vmem>>
        %dma_start3A_20 = tpu.memref_slice %arg2[%run_scoped3A_12, %mul3A_11] : memref<2x320000xi32, #tpu.memory_space<hbm>> -> memref<1x2560xi32, #tpu.memory_space<hbm>>
        %dma_start3A_21 = tpu.memref_squeeze %dma_start3A_20 : memref<1x2560xi32, #tpu.memory_space<hbm>> -> memref<2560xi32, #tpu.memory_space<hbm>>
        %dma_start3A_22 = arith.constant 0 : i32
        %dma_start3A_23 = tpu.memref_slice %arg6[%dma_start3A_22] : memref<10240xi32, #tpu.memory_space<vmem>> -> memref<2560xi32, #tpu.memory_space<vmem>>
        %dma_start3A_24 = tpu.memref_slice %arg2[%run_scoped3A_12, %mul3A_11] : memref<2x320000xi32, #tpu.memory_space<hbm>> -> memref<1x2560xi32, #tpu.memory_space<hbm>>
        %dma_start3A_25 = tpu.memref_squeeze %dma_start3A_24 : memref<1x2560xi32, #tpu.memory_space<hbm>> -> memref<2560xi32, #tpu.memory_space<hbm>>
        tpu.enqueue_dma source(%dma_start3A_25 : memref<2560xi32, #tpu.memory_space<hbm>>) target(%dma_start3A_23 : memref<2560xi32, #tpu.memory_space<vmem>>) target_semaphore(%run_scoped3A_18 : memref<!tpu.dma_semaphore, #tpu.memory_space<semaphore_mem>>)
        %dma_wait3A = arith.constant 0 : i32
        %dma_wait3A_26 = tpu.memref_slice %arg6[%dma_wait3A] : memref<10240xi32, #tpu.memory_space<vmem>> -> memref<2560xi32, #tpu.memory_space<vmem>>
        %dma_wait3A_27 = tpu.memref_slice %arg2[%run_scoped3A_12, %mul3A_11] : memref<2x320000xi32, #tpu.memory_space<hbm>> -> memref<1x2560xi32, #tpu.memory_space<hbm>>
        %dma_wait3A_28 = tpu.memref_squeeze %dma_wait3A_27 : memref<1x2560xi32, #tpu.memory_space<hbm>> -> memref<2560xi32, #tpu.memory_space<hbm>>
        %dma_wait3A_29 = arith.constant 0 : i32
        %dma_wait3A_30 = tpu.memref_slice %arg6[%dma_wait3A_29] : memref<10240xi32, #tpu.memory_space<vmem>> -> memref<2560xi32, #tpu.memory_space<vmem>>
        %dma_wait3A_31 = tpu.memref_slice %arg2[%run_scoped3A_12, %mul3A_11] : memref<2x320000xi32, #tpu.memory_space<hbm>> -> memref<1x2560xi32, #tpu.memory_space<hbm>>
        %dma_wait3A_32 = tpu.memref_squeeze %dma_wait3A_31 : memref<1x2560xi32, #tpu.memory_space<hbm>> -> memref<2560xi32, #tpu.memory_space<hbm>>
        tpu.wait_dma2 semaphore(%run_scoped3A_18 : memref<!tpu.dma_semaphore, #tpu.memory_space<semaphore_mem>>) src(%dma_wait3A_32 : memref<2560xi32, #tpu.memory_space<hbm>>) dst(%dma_wait3A_30 : memref<2560xi32, #tpu.memory_space<vmem>>)
        tpu.yield
      }) : () -> ()
      %scan3A = arith.constant 0 : i32
      %scan3A_13 = arith.constant 0 : i32
      %scan3A_14 = arith.constant 20 : i32
      %scan3A_15 = arith.addi %scan3A_13, %scan3A_14 : i32
      %scan3A_16 = arith.constant 1 : i32
      scf.for %scan3A_18 = %scan3A_13 to %scan3A_15 step %scan3A_16  : i32 {
        %mul3A_19 = arith.constant 128 : i32
        %mul3A_20 = arith.muli %scan3A_18, %mul3A_19 : i32
        %add3A_21 = arith.constant 0 : i32
        %add3A_22 = arith.addi %mul3A_20, %add3A_21 : i32
        %get3A = arith.index_cast %add3A_22 : i32 to index
        %get3A_23 = tpu.vector_load %arg5[%get3A] {strides = array<i32>} : memref<10240xi32, #tpu.memory_space<vmem>>, vector<16xi32>,
        %get3A_24 = arith.index_cast %add3A_22 : i32 to index
        %get3A_25 = tpu.vector_load %arg6[%get3A_24] {strides = array<i32>} : memref<10240xi32, #tpu.memory_space<vmem>>, vector<16xi32>,
        %shift_left3A = arith.shli %get3A_25, %broadcast_in_dim3A_1 : vector<16xi32>
        %or3A = arith.ori %shift_left3A, %get3A_23 : vector<16xi32>
        %swap3A = arith.index_cast %scan3A_18 : i32 to index
        %swap3A_26 = arith.constant 0 : index
        %swap3A_27 = tpu.vector_load %arg7[%swap3A, %swap3A_26] {strides = array<i32>} : memref<80x128xi32, #tpu.memory_space<vmem>>, vector<1x16xi32>,
        %swap3A_28 = vector.shape_cast %swap3A_27 : vector<1x16xi32> to vector<16xi32>
        %swap3A_29 = vector.shape_cast %or3A : vector<16xi32> to vector<1x16xi32>
        tpu.vector_store %arg7[%swap3A, %swap3A_26], %swap3A_29 {strides = array<i32>} : memref<80x128xi32, #tpu.memory_space<vmem>>, vector<1x16xi32>,
        %mul3A_30 = arith.constant 128 : i32
        %mul3A_31 = arith.muli %scan3A_18, %mul3A_30 : i32
        %add3A_32 = arith.constant 16 : i32
        %add3A_33 = arith.addi %mul3A_31, %add3A_32 : i32
        %get3A_34 = arith.index_cast %add3A_33 : i32 to index
        %get3A_35 = tpu.vector_load %arg5[%get3A_34] {strides = array<i32>} : memref<10240xi32, #tpu.memory_space<vmem>>, vector<16xi32>,
        %get3A_36 = arith.index_cast %add3A_33 : i32 to index
        %get3A_37 = tpu.vector_load %arg6[%get3A_36] {strides = array<i32>} : memref<10240xi32, #tpu.memory_space<vmem>>, vector<16xi32>,
        %shift_left3A_38 = arith.shli %get3A_37, %broadcast_in_dim3A_1 : vector<16xi32>
        %or3A_39 = arith.ori %shift_left3A_38, %get3A_35 : vector<16xi32>
        %swap3A_40 = arith.index_cast %scan3A_18 : i32 to index
        %swap3A_41 = arith.constant 16 : index
        %swap3A_42 = tpu.vector_load %arg7[%swap3A_40, %swap3A_41] {strides = array<i32>} : memref<80x128xi32, #tpu.memory_space<vmem>>, vector<1x16xi32>,
        %swap3A_43 = vector.shape_cast %swap3A_42 : vector<1x16xi32> to vector<16xi32>
        %swap3A_44 = vector.shape_cast %or3A_39 : vector<16xi32> to vector<1x16xi32>
        tpu.vector_store %arg7[%swap3A_40, %swap3A_41], %swap3A_44 {strides = array<i32>} : memref<80x128xi32, #tpu.memory_space<vmem>>, vector<1x16xi32>,
        %mul3A_45 = arith.constant 128 : i32
        %mul3A_46 = arith.muli %scan3A_18, %mul3A_45 : i32
        %add3A_47 = arith.constant 32 : i32
        %add3A_48 = arith.addi %mul3A_46, %add3A_47 : i32
        %get3A_49 = arith.index_cast %add3A_48 : i32 to index
        %get3A_50 = tpu.vector_load %arg5[%get3A_49] {strides = array<i32>} : memref<10240xi32, #tpu.memory_space<vmem>>, vector<16xi32>,
        %get3A_51 = arith.index_cast %add3A_48 : i32 to index
        %get3A_52 = tpu.vector_load %arg6[%get3A_51] {strides = array<i32>} : memref<10240xi32, #tpu.memory_space<vmem>>, vector<16xi32>,
        %shift_left3A_53 = arith.shli %get3A_52, %broadcast_in_dim3A_1 : vector<16xi32>
        %or3A_54 = arith.ori %shift_left3A_53, %get3A_50 : vector<16xi32>
        %swap3A_55 = arith.index_cast %scan3A_18 : i32 to index
        %swap3A_56 = arith.constant 32 : index
        %swap3A_57 = tpu.vector_load %arg7[%swap3A_55, %swap3A_56] {strides = array<i32>} : memref<80x128xi32, #tpu.memory_space<vmem>>, vector<1x16xi32>,
        %swap3A_58 = vector.shape_cast %swap3A_57 : vector<1x16xi32> to vector<16xi32>
        %swap3A_59 = vector.shape_cast %or3A_54 : vector<16xi32> to vector<1x16xi32>
        tpu.vector_store %arg7[%swap3A_55, %swap3A_56], %swap3A_59 {strides = array<i32>} : memref<80x128xi32, #tpu.memory_space<vmem>>, vector<1x16xi32>,
        %mul3A_60 = arith.constant 128 : i32
        %mul3A_61 = arith.muli %scan3A_18, %mul3A_60 : i32
        %add3A_62 = arith.constant 48 : i32
        %add3A_63 = arith.addi %mul3A_61, %add3A_62 : i32
        %get3A_64 = arith.index_cast %add3A_63 : i32 to index
        %get3A_65 = tpu.vector_load %arg5[%get3A_64] {strides = array<i32>} : memref<10240xi32, #tpu.memory_space<vmem>>, vector<16xi32>,
        %get3A_66 = arith.index_cast %add3A_63 : i32 to index
        %get3A_67 = tpu.vector_load %arg6[%get3A_66] {strides = array<i32>} : memref<10240xi32, #tpu.memory_space<vmem>>, vector<16xi32>,
        %shift_left3A_68 = arith.shli %get3A_67, %broadcast_in_dim3A_1 : vector<16xi32>
        %or3A_69 = arith.ori %shift_left3A_68, %get3A_65 : vector<16xi32>
        %swap3A_70 = arith.index_cast %scan3A_18 : i32 to index
        %swap3A_71 = arith.constant 48 : index
        %swap3A_72 = tpu.vector_load %arg7[%swap3A_70, %swap3A_71] {strides = array<i32>} : memref<80x128xi32, #tpu.memory_space<vmem>>, vector<1x16xi32>,
        %swap3A_73 = vector.shape_cast %swap3A_72 : vector<1x16xi32> to vector<16xi32>
        %swap3A_74 = vector.shape_cast %or3A_69 : vector<16xi32> to vector<1x16xi32>
        tpu.vector_store %arg7[%swap3A_70, %swap3A_71], %swap3A_74 {strides = array<i32>} : memref<80x128xi32, #tpu.memory_space<vmem>>, vector<1x16xi32>,
        %mul3A_75 = arith.constant 128 : i32
        %mul3A_76 = arith.muli %scan3A_18, %mul3A_75 : i32
        %add3A_77 = arith.constant 64 : i32
        %add3A_78 = arith.addi %mul3A_76, %add3A_77 : i32
        %get3A_79 = arith.index_cast %add3A_78 : i32 to index
        %get3A_80 = tpu.vector_load %arg5[%get3A_79] {strides = array<i32>} : memref<10240xi32, #tpu.memory_space<vmem>>, vector<16xi32>,
        %get3A_81 = arith.index_cast %add3A_78 : i32 to index
        %get3A_82 = tpu.vector_load %arg6[%get3A_81] {strides = array<i32>} : memref<10240xi32, #tpu.memory_space<vmem>>, vector<16xi32>,
        %shift_left3A_83 = arith.shli %get3A_82, %broadcast_in_dim3A_1 : vector<16xi32>
        %or3A_84 = arith.ori %shift_left3A_83, %get3A_80 : vector<16xi32>
        %swap3A_85 = arith.index_cast %scan3A_18 : i32 to index
        %swap3A_86 = arith.constant 64 : index
        %swap3A_87 = tpu.vector_load %arg7[%swap3A_85, %swap3A_86] {strides = array<i32>} : memref<80x128xi32, #tpu.memory_space<vmem>>, vector<1x16xi32>,
        %swap3A_88 = vector.shape_cast %swap3A_87 : vector<1x16xi32> to vector<16xi32>
        %swap3A_89 = vector.shape_cast %or3A_84 : vector<16xi32> to vector<1x16xi32>
        tpu.vector_store %arg7[%swap3A_85, %swap3A_86], %swap3A_89 {strides = array<i32>} : memref<80x128xi32, #tpu.memory_space<vmem>>, vector<1x16xi32>,
        %mul3A_90 = arith.constant 128 : i32
        %mul3A_91 = arith.muli %scan3A_18, %mul3A_90 : i32
        %add3A_92 = arith.constant 80 : i32
        %add3A_93 = arith.addi %mul3A_91, %add3A_92 : i32
        %get3A_94 = arith.index_cast %add3A_93 : i32 to index
        %get3A_95 = tpu.vector_load %arg5[%get3A_94] {strides = array<i32>} : memref<10240xi32, #tpu.memory_space<vmem>>, vector<16xi32>,
        %get3A_96 = arith.index_cast %add3A_93 : i32 to index
        %get3A_97 = tpu.vector_load %arg6[%get3A_96] {strides = array<i32>} : memref<10240xi32, #tpu.memory_space<vmem>>, vector<16xi32>,
        %shift_left3A_98 = arith.shli %get3A_97, %broadcast_in_dim3A_1 : vector<16xi32>
        %or3A_99 = arith.ori %shift_left3A_98, %get3A_95 : vector<16xi32>
        %swap3A_100 = arith.index_cast %scan3A_18 : i32 to index
        %swap3A_101 = arith.constant 80 : index
        %swap3A_102 = tpu.vector_load %arg7[%swap3A_100, %swap3A_101] {strides = array<i32>} : memref<80x128xi32, #tpu.memory_space<vmem>>, vector<1x16xi32>,
        %swap3A_103 = vector.shape_cast %swap3A_102 : vector<1x16xi32> to vector<16xi32>
        %swap3A_104 = vector.shape_cast %or3A_99 : vector<16xi32> to vector<1x16xi32>
        tpu.vector_store %arg7[%swap3A_100, %swap3A_101], %swap3A_104 {strides = array<i32>} : memref<80x128xi32, #tpu.memory_space<vmem>>, vector<1x16xi32>,
        %mul3A_105 = arith.constant 128 : i32
        %mul3A_106 = arith.muli %scan3A_18, %mul3A_105 : i32
        %add3A_107 = arith.constant 96 : i32
        %add3A_108 = arith.addi %mul3A_106, %add3A_107 : i32
        %get3A_109 = arith.index_cast %add3A_108 : i32 to index
        %get3A_110 = tpu.vector_load %arg5[%get3A_109] {strides = array<i32>} : memref<10240xi32, #tpu.memory_space<vmem>>, vector<16xi32>,
        %get3A_111 = arith.index_cast %add3A_108 : i32 to index
        %get3A_112 = tpu.vector_load %arg6[%get3A_111] {strides = array<i32>} : memref<10240xi32, #tpu.memory_space<vmem>>, vector<16xi32>,
        %shift_left3A_113 = arith.shli %get3A_112, %broadcast_in_dim3A_1 : vector<16xi32>
        %or3A_114 = arith.ori %shift_left3A_113, %get3A_110 : vector<16xi32>
        %swap3A_115 = arith.index_cast %scan3A_18 : i32 to index
        %swap3A_116 = arith.constant 96 : index
        %swap3A_117 = tpu.vector_load %arg7[%swap3A_115, %swap3A_116] {strides = array<i32>} : memref<80x128xi32, #tpu.memory_space<vmem>>, vector<1x16xi32>,
        %swap3A_118 = vector.shape_cast %swap3A_117 : vector<1x16xi32> to vector<16xi32>
        %swap3A_119 = vector.shape_cast %or3A_114 : vector<16xi32> to vector<1x16xi32>
        tpu.vector_store %arg7[%swap3A_115, %swap3A_116], %swap3A_119 {strides = array<i32>} : memref<80x128xi32, #tpu.memory_space<vmem>>, vector<1x16xi32>,
        %mul3A_120 = arith.constant 128 : i32
        %mul3A_121 = arith.muli %scan3A_18, %mul3A_120 : i32
        %add3A_122 = arith.constant 112 : i32
        %add3A_123 = arith.addi %mul3A_121, %add3A_122 : i32
        %get3A_124 = arith.index_cast %add3A_123 : i32 to index
        %get3A_125 = tpu.vector_load %arg5[%get3A_124] {strides = array<i32>} : memref<10240xi32, #tpu.memory_space<vmem>>, vector<16xi32>,
        %get3A_126 = arith.index_cast %add3A_123 : i32 to index
        %get3A_127 = tpu.vector_load %arg6[%get3A_126] {strides = array<i32>} : memref<10240xi32, #tpu.memory_space<vmem>>, vector<16xi32>,
        %shift_left3A_128 = arith.shli %get3A_127, %broadcast_in_dim3A_1 : vector<16xi32>
        %or3A_129 = arith.ori %shift_left3A_128, %get3A_125 : vector<16xi32>
        %swap3A_130 = arith.index_cast %scan3A_18 : i32 to index
        %swap3A_131 = arith.constant 112 : index
        %swap3A_132 = tpu.vector_load %arg7[%swap3A_130, %swap3A_131] {strides = array<i32>} : memref<80x128xi32, #tpu.memory_space<vmem>>, vector<1x16xi32>,
        %swap3A_133 = vector.shape_cast %swap3A_132 : vector<1x16xi32> to vector<16xi32>
        %swap3A_134 = vector.shape_cast %or3A_129 : vector<16xi32> to vector<1x16xi32>
        tpu.vector_store %arg7[%swap3A_130, %swap3A_131], %swap3A_134 {strides = array<i32>} : memref<80x128xi32, #tpu.memory_space<vmem>>, vector<1x16xi32>,
      }
      %scan3A_17 = arith.constant 20 : i32
      "tpu.region"() ({
        %run_scoped3A_18 = tpu.sem_alloc : memref<!tpu.dma_semaphore, #tpu.memory_space<semaphore_mem>>
        %dma_start3A = arith.constant 20 : i32
        %dma_start3A_19 = arith.constant 0 : i32
        %dma_start3A_20 = tpu.memref_slice %arg7[%dma_start3A, %dma_start3A_19] : memref<80x128xi32, #tpu.memory_space<vmem>> -> memref<60x128xi32, #tpu.memory_space<vmem>>
        %dma_start3A_21 = arith.constant 20 : i32
        %dma_start3A_22 = arith.constant 0 : i32
        %dma_start3A_23 = tpu.memref_slice %arg7[%dma_start3A_21, %dma_start3A_22] : memref<80x128xi32, #tpu.memory_space<vmem>> -> memref<60x128xi32, #tpu.memory_space<vmem>>
        tpu.enqueue_dma source(%arg3 : memref<60x128xi32, #tpu.memory_space<hbm>>) target(%dma_start3A_23 : memref<60x128xi32, #tpu.memory_space<vmem>>) target_semaphore(%run_scoped3A_18 : memref<!tpu.dma_semaphore, #tpu.memory_space<semaphore_mem>>)
        %dma_wait3A = arith.constant 20 : i32
        %dma_wait3A_24 = arith.constant 0 : i32
        %dma_wait3A_25 = tpu.memref_slice %arg7[%dma_wait3A, %dma_wait3A_24] : memref<80x128xi32, #tpu.memory_space<vmem>> -> memref<60x128xi32, #tpu.memory_space<vmem>>
        %dma_wait3A_26 = arith.constant 20 : i32
        %dma_wait3A_27 = arith.constant 0 : i32
        %dma_wait3A_28 = tpu.memref_slice %arg7[%dma_wait3A_26, %dma_wait3A_27] : memref<80x128xi32, #tpu.memory_space<vmem>> -> memref<60x128xi32, #tpu.memory_space<vmem>>
        tpu.wait_dma2 semaphore(%run_scoped3A_18 : memref<!tpu.dma_semaphore, #tpu.memory_space<semaphore_mem>>) src(%arg3 : memref<60x128xi32, #tpu.memory_space<hbm>>) dst(%dma_wait3A_28 : memref<60x128xi32, #tpu.memory_space<vmem>>)
        tpu.yield
      }) : () -> ()
    } else {
    }
    "tpu.region"() ({
      %run_scoped3A = tpu.sem_alloc : memref<!tpu.dma_semaphore, #tpu.memory_space<semaphore_mem>>
      %dma_start3A = arith.constant 0 : i32
      %dma_start3A_8 = arith.constant 0 : i32
      %dma_start3A_9 = tpu.memref_slice %arg4[%add3A, %dma_start3A, %dma_start3A_8] : memref<32x80x128xi32, #tpu.memory_space<hbm>> -> memref<1x80x128xi32, #tpu.memory_space<hbm>>
      %dma_start3A_10 = tpu.memref_squeeze %dma_start3A_9 : memref<1x80x128xi32, #tpu.memory_space<hbm>> -> memref<80x128xi32, #tpu.memory_space<hbm>>
      %dma_start3A_11 = arith.constant 0 : i32
      %dma_start3A_12 = arith.constant 0 : i32
      %dma_start3A_13 = tpu.memref_slice %arg4[%add3A, %dma_start3A_11, %dma_start3A_12] : memref<32x80x128xi32, #tpu.memory_space<hbm>> -> memref<1x80x128xi32, #tpu.memory_space<hbm>>
      %dma_start3A_14 = tpu.memref_squeeze %dma_start3A_13 : memref<1x80x128xi32, #tpu.memory_space<hbm>> -> memref<80x128xi32, #tpu.memory_space<hbm>>
      tpu.enqueue_dma source(%arg7 : memref<80x128xi32, #tpu.memory_space<vmem>>) target(%dma_start3A_14 : memref<80x128xi32, #tpu.memory_space<hbm>>) target_semaphore(%run_scoped3A : memref<!tpu.dma_semaphore, #tpu.memory_space<semaphore_mem>>)
      %dma_wait3A = arith.constant 0 : i32
      %dma_wait3A_15 = arith.constant 0 : i32
      %dma_wait3A_16 = tpu.memref_slice %arg4[%add3A, %dma_wait3A, %dma_wait3A_15] : memref<32x80x128xi32, #tpu.memory_space<hbm>> -> memref<1x80x128xi32, #tpu.memory_space<hbm>>
      %dma_wait3A_17 = tpu.memref_squeeze %dma_wait3A_16 : memref<1x80x128xi32, #tpu.memory_space<hbm>> -> memref<80x128xi32, #tpu.memory_space<hbm>>
      %dma_wait3A_18 = arith.constant 0 : i32
      %dma_wait3A_19 = arith.constant 0 : i32
      %dma_wait3A_20 = tpu.memref_slice %arg4[%add3A, %dma_wait3A_18, %dma_wait3A_19] : memref<32x80x128xi32, #tpu.memory_space<hbm>> -> memref<1x80x128xi32, #tpu.memory_space<hbm>>
      %dma_wait3A_21 = tpu.memref_squeeze %dma_wait3A_20 : memref<1x80x128xi32, #tpu.memory_space<hbm>> -> memref<80x128xi32, #tpu.memory_space<hbm>>
      tpu.wait_dma2 semaphore(%run_scoped3A : memref<!tpu.dma_semaphore, #tpu.memory_space<semaphore_mem>>) src(%arg7 : memref<80x128xi32, #tpu.memory_space<vmem>>) dst(%dma_wait3A_21 : memref<80x128xi32, #tpu.memory_space<hbm>>)
      tpu.yield
    }) : () -> ()
    return
  }
}

#map = affine_map<(d0, d1) -> (0, 0)>
module attributes {stable_mosaic.version = 14 : i64} {
  func.func @deg_kernel(%arg0: i32, %arg1: i32, %arg2: memref<2x320000xi32, #tpu.memory_space<hbm>>, %arg3: memref<32x10240xf32, #tpu.memory_space<hbm>>, %arg4: memref<10240xi32, #tpu.memory_space<vmem>>, %arg5: memref<10240xf32, #tpu.memory_space<vmem>>) attributes {dimension_semantics = [#tpu.dimension_semantics<core_parallel>, #tpu.dimension_semantics<subcore_parallel>], iteration_bounds = array<i64: 2, 16>, scalar_prefetch = 0 : i64, scratch_operands = 2 : i64, tpu.core_type = #tpu.core_type<sc_vector_subcore>, window_params = [{transform_indices = #map}, {transform_indices = #map}]} {
    %mul3A = arith.constant 16 : i32
    %mul3A_0 = arith.muli %arg0, %mul3A : i32
    %add3A = arith.addi %mul3A_0, %arg1 : i32
    %broadcast_in_dim3A = arith.constant 0.000000e+00 : f32
    %broadcast_in_dim3A_1 = vector.broadcast %broadcast_in_dim3A : f32 to vector<16xf32>
    %scan3A = arith.constant 0 : i32
    %scan3A_2 = arith.constant 0 : i32
    %scan3A_3 = arith.constant 640 : i32
    %scan3A_4 = arith.addi %scan3A_2, %scan3A_3 : i32
    %scan3A_5 = arith.constant 1 : i32
    scf.for %scan3A_15 = %scan3A_2 to %scan3A_4 step %scan3A_5  : i32 {
      %mul3A_16 = arith.constant 16 : i32
      %mul3A_17 = arith.muli %scan3A_15, %mul3A_16 : i32
      %swap3A = arith.index_cast %mul3A_17 : i32 to index
      %swap3A_18 = tpu.vector_load %arg5[%swap3A] {strides = array<i32>} : memref<10240xf32, #tpu.memory_space<vmem>>, vector<16xf32>,
      tpu.vector_store %arg5[%swap3A], %broadcast_in_dim3A_1 {strides = array<i32>} : memref<10240xf32, #tpu.memory_space<vmem>>, vector<16xf32>,
    }
    %scan3A_6 = arith.constant 640 : i32
    %broadcast_in_dim3A_7 = arith.constant 1.000000e+00 : f32
    %broadcast_in_dim3A_8 = vector.broadcast %broadcast_in_dim3A_7 : f32 to vector<16xf32>
    %lt3A = arith.constant 31 : i32
    %lt3A_9 = arith.cmpi slt, %add3A, %lt3A : i32
    %convert_element_type3A = arith.extui %lt3A_9 : i1 to i32
    %cond3A = arith.constant 0 : i32
    %cond3A_10 = arith.cmpi ne, %convert_element_type3A, %cond3A : i32
    scf.if %cond3A_10 {
      %mul3A_15 = arith.constant 10240 : i32
      %mul3A_16 = arith.muli %add3A, %mul3A_15 : i32
      %run_scoped3A = arith.constant 1 : i32
      "tpu.region"() ({
        %run_scoped3A_23 = tpu.sem_alloc : memref<!tpu.dma_semaphore, #tpu.memory_space<semaphore_mem>>
        %dma_start3A = tpu.memref_slice %arg2[%run_scoped3A, %mul3A_16] : memref<2x320000xi32, #tpu.memory_space<hbm>> -> memref<1x10240xi32, #tpu.memory_space<hbm>>
        %dma_start3A_24 = tpu.memref_squeeze %dma_start3A : memref<1x10240xi32, #tpu.memory_space<hbm>> -> memref<10240xi32, #tpu.memory_space<hbm>>
        %dma_start3A_25 = tpu.memref_slice %arg2[%run_scoped3A, %mul3A_16] : memref<2x320000xi32, #tpu.memory_space<hbm>> -> memref<1x10240xi32, #tpu.memory_space<hbm>>
        %dma_start3A_26 = tpu.memref_squeeze %dma_start3A_25 : memref<1x10240xi32, #tpu.memory_space<hbm>> -> memref<10240xi32, #tpu.memory_space<hbm>>
        tpu.enqueue_dma source(%dma_start3A_26 : memref<10240xi32, #tpu.memory_space<hbm>>) target(%arg4 : memref<10240xi32, #tpu.memory_space<vmem>>) target_semaphore(%run_scoped3A_23 : memref<!tpu.dma_semaphore, #tpu.memory_space<semaphore_mem>>)
        %dma_wait3A = tpu.memref_slice %arg2[%run_scoped3A, %mul3A_16] : memref<2x320000xi32, #tpu.memory_space<hbm>> -> memref<1x10240xi32, #tpu.memory_space<hbm>>
        %dma_wait3A_27 = tpu.memref_squeeze %dma_wait3A : memref<1x10240xi32, #tpu.memory_space<hbm>> -> memref<10240xi32, #tpu.memory_space<hbm>>
        %dma_wait3A_28 = tpu.memref_slice %arg2[%run_scoped3A, %mul3A_16] : memref<2x320000xi32, #tpu.memory_space<hbm>> -> memref<1x10240xi32, #tpu.memory_space<hbm>>
        %dma_wait3A_29 = tpu.memref_squeeze %dma_wait3A_28 : memref<1x10240xi32, #tpu.memory_space<hbm>> -> memref<10240xi32, #tpu.memory_space<hbm>>
        tpu.wait_dma2 semaphore(%run_scoped3A_23 : memref<!tpu.dma_semaphore, #tpu.memory_space<semaphore_mem>>) src(%dma_wait3A_29 : memref<10240xi32, #tpu.memory_space<hbm>>) dst(%arg4 : memref<10240xi32, #tpu.memory_space<vmem>>)
        tpu.yield
      }) : () -> ()
      %scan3A_17 = arith.constant 0 : i32
      %scan3A_18 = arith.constant 0 : i32
      %scan3A_19 = arith.constant 640 : i32
      %scan3A_20 = arith.addi %scan3A_18, %scan3A_19 : i32
      %scan3A_21 = arith.constant 1 : i32
      scf.for %scan3A_23 = %scan3A_18 to %scan3A_20 step %scan3A_21  : i32 {
        %mul3A_24 = arith.constant 16 : i32
        %mul3A_25 = arith.muli %scan3A_23, %mul3A_24 : i32
        %get3A = arith.index_cast %mul3A_25 : i32 to index
        %get3A_26 = tpu.vector_load %arg4[%get3A] {strides = array<i32>} : memref<10240xi32, #tpu.memory_space<vmem>>, vector<16xi32>,
        tpu.vector_store_idx %arg5[%get3A_26], %broadcast_in_dim3A_8 {add = true} : memref<10240xf32, #tpu.memory_space<vmem>>[vector<16xi32>], vector<16xf32>,
      }
      %scan3A_22 = arith.constant 640 : i32
    } else {
    }
    %eq3A = arith.constant 31 : i32
    %eq3A_11 = arith.cmpi eq, %add3A, %eq3A : i32
    %convert_element_type3A_12 = arith.extui %eq3A_11 : i1 to i32
    %cond3A_13 = arith.constant 0 : i32
    %cond3A_14 = arith.cmpi ne, %convert_element_type3A_12, %cond3A_13 : i32
    scf.if %cond3A_14 {
      %mul3A_15 = arith.constant 10240 : i32
      %mul3A_16 = arith.muli %add3A, %mul3A_15 : i32
      %run_scoped3A = arith.constant 1 : i32
      "tpu.region"() ({
        %run_scoped3A_23 = tpu.sem_alloc : memref<!tpu.dma_semaphore, #tpu.memory_space<semaphore_mem>>
        %dma_start3A = arith.constant 0 : i32
        %dma_start3A_24 = tpu.memref_slice %arg4[%dma_start3A] : memref<10240xi32, #tpu.memory_space<vmem>> -> memref<2560xi32, #tpu.memory_space<vmem>>
        %dma_start3A_25 = tpu.memref_slice %arg2[%run_scoped3A, %mul3A_16] : memref<2x320000xi32, #tpu.memory_space<hbm>> -> memref<1x2560xi32, #tpu.memory_space<hbm>>
        %dma_start3A_26 = tpu.memref_squeeze %dma_start3A_25 : memref<1x2560xi32, #tpu.memory_space<hbm>> -> memref<2560xi32, #tpu.memory_space<hbm>>
        %dma_start3A_27 = arith.constant 0 : i32
        %dma_start3A_28 = tpu.memref_slice %arg4[%dma_start3A_27] : memref<10240xi32, #tpu.memory_space<vmem>> -> memref<2560xi32, #tpu.memory_space<vmem>>
        %dma_start3A_29 = tpu.memref_slice %arg2[%run_scoped3A, %mul3A_16] : memref<2x320000xi32, #tpu.memory_space<hbm>> -> memref<1x2560xi32, #tpu.memory_space<hbm>>
        %dma_start3A_30 = tpu.memref_squeeze %dma_start3A_29 : memref<1x2560xi32, #tpu.memory_space<hbm>> -> memref<2560xi32, #tpu.memory_space<hbm>>
        tpu.enqueue_dma source(%dma_start3A_30 : memref<2560xi32, #tpu.memory_space<hbm>>) target(%dma_start3A_28 : memref<2560xi32, #tpu.memory_space<vmem>>) target_semaphore(%run_scoped3A_23 : memref<!tpu.dma_semaphore, #tpu.memory_space<semaphore_mem>>)
        %dma_wait3A = arith.constant 0 : i32
        %dma_wait3A_31 = tpu.memref_slice %arg4[%dma_wait3A] : memref<10240xi32, #tpu.memory_space<vmem>> -> memref<2560xi32, #tpu.memory_space<vmem>>
        %dma_wait3A_32 = tpu.memref_slice %arg2[%run_scoped3A, %mul3A_16] : memref<2x320000xi32, #tpu.memory_space<hbm>> -> memref<1x2560xi32, #tpu.memory_space<hbm>>
        %dma_wait3A_33 = tpu.memref_squeeze %dma_wait3A_32 : memref<1x2560xi32, #tpu.memory_space<hbm>> -> memref<2560xi32, #tpu.memory_space<hbm>>
        %dma_wait3A_34 = arith.constant 0 : i32
        %dma_wait3A_35 = tpu.memref_slice %arg4[%dma_wait3A_34] : memref<10240xi32, #tpu.memory_space<vmem>> -> memref<2560xi32, #tpu.memory_space<vmem>>
        %dma_wait3A_36 = tpu.memref_slice %arg2[%run_scoped3A, %mul3A_16] : memref<2x320000xi32, #tpu.memory_space<hbm>> -> memref<1x2560xi32, #tpu.memory_space<hbm>>
        %dma_wait3A_37 = tpu.memref_squeeze %dma_wait3A_36 : memref<1x2560xi32, #tpu.memory_space<hbm>> -> memref<2560xi32, #tpu.memory_space<hbm>>
        tpu.wait_dma2 semaphore(%run_scoped3A_23 : memref<!tpu.dma_semaphore, #tpu.memory_space<semaphore_mem>>) src(%dma_wait3A_37 : memref<2560xi32, #tpu.memory_space<hbm>>) dst(%dma_wait3A_35 : memref<2560xi32, #tpu.memory_space<vmem>>)
        tpu.yield
      }) : () -> ()
      %scan3A_17 = arith.constant 0 : i32
      %scan3A_18 = arith.constant 0 : i32
      %scan3A_19 = arith.constant 160 : i32
      %scan3A_20 = arith.addi %scan3A_18, %scan3A_19 : i32
      %scan3A_21 = arith.constant 1 : i32
      scf.for %scan3A_23 = %scan3A_18 to %scan3A_20 step %scan3A_21  : i32 {
        %mul3A_24 = arith.constant 16 : i32
        %mul3A_25 = arith.muli %scan3A_23, %mul3A_24 : i32
        %get3A = arith.index_cast %mul3A_25 : i32 to index
        %get3A_26 = tpu.vector_load %arg4[%get3A] {strides = array<i32>} : memref<10240xi32, #tpu.memory_space<vmem>>, vector<16xi32>,
        tpu.vector_store_idx %arg5[%get3A_26], %broadcast_in_dim3A_8 {add = true} : memref<10240xf32, #tpu.memory_space<vmem>>[vector<16xi32>], vector<16xf32>,
      }
      %scan3A_22 = arith.constant 160 : i32
    } else {
    }
    "tpu.region"() ({
      %run_scoped3A = tpu.sem_alloc : memref<!tpu.dma_semaphore, #tpu.memory_space<semaphore_mem>>
      %dma_start3A = arith.constant 0 : i32
      %dma_start3A_15 = tpu.memref_slice %arg3[%add3A, %dma_start3A] : memref<32x10240xf32, #tpu.memory_space<hbm>> -> memref<1x10240xf32, #tpu.memory_space<hbm>>
      %dma_start3A_16 = tpu.memref_squeeze %dma_start3A_15 : memref<1x10240xf32, #tpu.memory_space<hbm>> -> memref<10240xf32, #tpu.memory_space<hbm>>
      %dma_start3A_17 = arith.constant 0 : i32
      %dma_start3A_18 = tpu.memref_slice %arg3[%add3A, %dma_start3A_17] : memref<32x10240xf32, #tpu.memory_space<hbm>> -> memref<1x10240xf32, #tpu.memory_space<hbm>>
      %dma_start3A_19 = tpu.memref_squeeze %dma_start3A_18 : memref<1x10240xf32, #tpu.memory_space<hbm>> -> memref<10240xf32, #tpu.memory_space<hbm>>
      tpu.enqueue_dma source(%arg5 : memref<10240xf32, #tpu.memory_space<vmem>>) target(%dma_start3A_19 : memref<10240xf32, #tpu.memory_space<hbm>>) target_semaphore(%run_scoped3A : memref<!tpu.dma_semaphore, #tpu.memory_space<semaphore_mem>>)
      %dma_wait3A = arith.constant 0 : i32
      %dma_wait3A_20 = tpu.memref_slice %arg3[%add3A, %dma_wait3A] : memref<32x10240xf32, #tpu.memory_space<hbm>> -> memref<1x10240xf32, #tpu.memory_space<hbm>>
      %dma_wait3A_21 = tpu.memref_squeeze %dma_wait3A_20 : memref<1x10240xf32, #tpu.memory_space<hbm>> -> memref<10240xf32, #tpu.memory_space<hbm>>
      %dma_wait3A_22 = arith.constant 0 : i32
      %dma_wait3A_23 = tpu.memref_slice %arg3[%add3A, %dma_wait3A_22] : memref<32x10240xf32, #tpu.memory_space<hbm>> -> memref<1x10240xf32, #tpu.memory_space<hbm>>
      %dma_wait3A_24 = tpu.memref_squeeze %dma_wait3A_23 : memref<1x10240xf32, #tpu.memory_space<hbm>> -> memref<10240xf32, #tpu.memory_space<hbm>>
      tpu.wait_dma2 semaphore(%run_scoped3A : memref<!tpu.dma_semaphore, #tpu.memory_space<semaphore_mem>>) src(%arg5 : memref<10240xf32, #tpu.memory_space<vmem>>) dst(%dma_wait3A_24 : memref<10240xf32, #tpu.memory_space<hbm>>)
      tpu.yield
    }) : () -> ()
    return
  }
}

#map = affine_map<(d0, d1) -> (0, 0)>
#map1 = affine_map<(d0, d1) -> (0, 0, 0)>
module attributes {stable_mosaic.version = 14 : i64} {
  func.func @scat_kernel(%arg0: i32, %arg1: i32, %arg2: memref<10000x128xf32, #tpu.memory_space<hbm>>, %arg3: memref<32x80x128xi32, #tpu.memory_space<hbm>>, %arg4: memref<2x10240x128xf32, #tpu.memory_space<hbm>>, %arg5: memref<80x128xi32, #tpu.memory_space<vmem>>, %arg6: memref<128xi32, #tpu.memory_space<vmem>>, %arg7: memref<128xi32, #tpu.memory_space<vmem>>, %arg8: memref<128xi32, #tpu.memory_space<vmem>>, %arg9: memref<128xi32, #tpu.memory_space<vmem>>, %arg10: memref<128x128xf32, #tpu.memory_space<vmem>>, %arg11: memref<128x128xf32, #tpu.memory_space<vmem>>, %arg12: memref<10240x128xf32, #tpu.memory_space<vmem_shared>>, %arg13: memref<!tpu.dma_semaphore, #tpu.memory_space<semaphore_mem>>, %arg14: memref<!tpu.dma_semaphore, #tpu.memory_space<semaphore_mem>>, %arg15: memref<!tpu.dma_semaphore, #tpu.memory_space<semaphore_mem>>, %arg16: memref<!tpu.dma_semaphore, #tpu.memory_space<semaphore_mem>>) attributes {dimension_semantics = [#tpu.dimension_semantics<core_parallel>, #tpu.dimension_semantics<subcore_parallel>], iteration_bounds = array<i64: 2, 16>, scalar_prefetch = 0 : i64, scratch_operands = 12 : i64, tpu.core_type = #tpu.core_type<sc_vector_subcore>, window_params = [{transform_indices = #map}, {transform_indices = #map1}, {transform_indices = #map1}]} {
    %mul3A = arith.constant 16 : i32
    %mul3A_0 = arith.muli %arg0, %mul3A : i32
    %add3A = arith.addi %mul3A_0, %arg1 : i32
    "tpu.region"() ({
      %run_scoped3A = tpu.sem_alloc : memref<!tpu.dma_semaphore, #tpu.memory_space<semaphore_mem>>
      %dma_start3A_61 = arith.constant 0 : i32
      %dma_start3A_62 = arith.constant 0 : i32
      %dma_start3A_63 = tpu.memref_slice %arg3[%add3A, %dma_start3A_61, %dma_start3A_62] : memref<32x80x128xi32, #tpu.memory_space<hbm>> -> memref<1x80x128xi32, #tpu.memory_space<hbm>>
      %dma_start3A_64 = tpu.memref_squeeze %dma_start3A_63 : memref<1x80x128xi32, #tpu.memory_space<hbm>> -> memref<80x128xi32, #tpu.memory_space<hbm>>
      %dma_start3A_65 = arith.constant 0 : i32
      %dma_start3A_66 = arith.constant 0 : i32
      %dma_start3A_67 = tpu.memref_slice %arg3[%add3A, %dma_start3A_65, %dma_start3A_66] : memref<32x80x128xi32, #tpu.memory_space<hbm>> -> memref<1x80x128xi32, #tpu.memory_space<hbm>>
      %dma_start3A_68 = tpu.memref_squeeze %dma_start3A_67 : memref<1x80x128xi32, #tpu.memory_space<hbm>> -> memref<80x128xi32, #tpu.memory_space<hbm>>
      tpu.enqueue_dma source(%dma_start3A_68 : memref<80x128xi32, #tpu.memory_space<hbm>>) target(%arg5 : memref<80x128xi32, #tpu.memory_space<vmem>>) target_semaphore(%run_scoped3A : memref<!tpu.dma_semaphore, #tpu.memory_space<semaphore_mem>>)
      %dma_wait3A_69 = arith.constant 0 : i32
      %dma_wait3A_70 = arith.constant 0 : i32
      %dma_wait3A_71 = tpu.memref_slice %arg3[%add3A, %dma_wait3A_69, %dma_wait3A_70] : memref<32x80x128xi32, #tpu.memory_space<hbm>> -> memref<1x80x128xi32, #tpu.memory_space<hbm>>
      %dma_wait3A_72 = tpu.memref_squeeze %dma_wait3A_71 : memref<1x80x128xi32, #tpu.memory_space<hbm>> -> memref<80x128xi32, #tpu.memory_space<hbm>>
      %dma_wait3A_73 = arith.constant 0 : i32
      %dma_wait3A_74 = arith.constant 0 : i32
      %dma_wait3A_75 = tpu.memref_slice %arg3[%add3A, %dma_wait3A_73, %dma_wait3A_74] : memref<32x80x128xi32, #tpu.memory_space<hbm>> -> memref<1x80x128xi32, #tpu.memory_space<hbm>>
      %dma_wait3A_76 = tpu.memref_squeeze %dma_wait3A_75 : memref<1x80x128xi32, #tpu.memory_space<hbm>> -> memref<80x128xi32, #tpu.memory_space<hbm>>
      tpu.wait_dma2 semaphore(%run_scoped3A : memref<!tpu.dma_semaphore, #tpu.memory_space<semaphore_mem>>) src(%dma_wait3A_76 : memref<80x128xi32, #tpu.memory_space<hbm>>) dst(%arg5 : memref<80x128xi32, #tpu.memory_space<vmem>>)
      tpu.yield
    }) : () -> ()
    %broadcast_in_dim3A = arith.constant 0.000000e+00 : f32
    %broadcast_in_dim3A_1 = vector.broadcast %broadcast_in_dim3A : f32 to vector<16xf32>
    %scan3A = arith.constant 0 : i32
    %scan3A_2 = arith.constant 0 : i32
    %scan3A_3 = arith.constant 128 : i32
    %scan3A_4 = arith.addi %scan3A_2, %scan3A_3 : i32
    %scan3A_5 = arith.constant 1 : i32
    scf.for %scan3A_61 = %scan3A_2 to %scan3A_4 step %scan3A_5  : i32 {
      %swap3A = arith.index_cast %scan3A_61 : i32 to index
      %swap3A_62 = arith.constant 0 : index
      %swap3A_63 = tpu.vector_load %arg10[%swap3A, %swap3A_62] {strides = array<i32>} : memref<128x128xf32, #tpu.memory_space<vmem>>, vector<1x16xf32>,
      %swap3A_64 = vector.shape_cast %swap3A_63 : vector<1x16xf32> to vector<16xf32>
      %swap3A_65 = vector.shape_cast %broadcast_in_dim3A_1 : vector<16xf32> to vector<1x16xf32>
      tpu.vector_store %arg10[%swap3A, %swap3A_62], %swap3A_65 {strides = array<i32>} : memref<128x128xf32, #tpu.memory_space<vmem>>, vector<1x16xf32>,
      %swap3A_66 = arith.index_cast %scan3A_61 : i32 to index
      %swap3A_67 = arith.constant 16 : index
      %swap3A_68 = tpu.vector_load %arg10[%swap3A_66, %swap3A_67] {strides = array<i32>} : memref<128x128xf32, #tpu.memory_space<vmem>>, vector<1x16xf32>,
      %swap3A_69 = vector.shape_cast %swap3A_68 : vector<1x16xf32> to vector<16xf32>
      %swap3A_70 = vector.shape_cast %broadcast_in_dim3A_1 : vector<16xf32> to vector<1x16xf32>
      tpu.vector_store %arg10[%swap3A_66, %swap3A_67], %swap3A_70 {strides = array<i32>} : memref<128x128xf32, #tpu.memory_space<vmem>>, vector<1x16xf32>,
      %swap3A_71 = arith.index_cast %scan3A_61 : i32 to index
      %swap3A_72 = arith.constant 32 : index
      %swap3A_73 = tpu.vector_load %arg10[%swap3A_71, %swap3A_72] {strides = array<i32>} : memref<128x128xf32, #tpu.memory_space<vmem>>, vector<1x16xf32>,
      %swap3A_74 = vector.shape_cast %swap3A_73 : vector<1x16xf32> to vector<16xf32>
      %swap3A_75 = vector.shape_cast %broadcast_in_dim3A_1 : vector<16xf32> to vector<1x16xf32>
      tpu.vector_store %arg10[%swap3A_71, %swap3A_72], %swap3A_75 {strides = array<i32>} : memref<128x128xf32, #tpu.memory_space<vmem>>, vector<1x16xf32>,
      %swap3A_76 = arith.index_cast %scan3A_61 : i32 to index
      %swap3A_77 = arith.constant 48 : index
      %swap3A_78 = tpu.vector_load %arg10[%swap3A_76, %swap3A_77] {strides = array<i32>} : memref<128x128xf32, #tpu.memory_space<vmem>>, vector<1x16xf32>,
      %swap3A_79 = vector.shape_cast %swap3A_78 : vector<1x16xf32> to vector<16xf32>
      %swap3A_80 = vector.shape_cast %broadcast_in_dim3A_1 : vector<16xf32> to vector<1x16xf32>
      tpu.vector_store %arg10[%swap3A_76, %swap3A_77], %swap3A_80 {strides = array<i32>} : memref<128x128xf32, #tpu.memory_space<vmem>>, vector<1x16xf32>,
      %swap3A_81 = arith.index_cast %scan3A_61 : i32 to index
      %swap3A_82 = arith.constant 64 : index
      %swap3A_83 = tpu.vector_load %arg10[%swap3A_81, %swap3A_82] {strides = array<i32>} : memref<128x128xf32, #tpu.memory_space<vmem>>, vector<1x16xf32>,
      %swap3A_84 = vector.shape_cast %swap3A_83 : vector<1x16xf32> to vector<16xf32>
      %swap3A_85 = vector.shape_cast %broadcast_in_dim3A_1 : vector<16xf32> to vector<1x16xf32>
      tpu.vector_store %arg10[%swap3A_81, %swap3A_82], %swap3A_85 {strides = array<i32>} : memref<128x128xf32, #tpu.memory_space<vmem>>, vector<1x16xf32>,
      %swap3A_86 = arith.index_cast %scan3A_61 : i32 to index
      %swap3A_87 = arith.constant 80 : index
      %swap3A_88 = tpu.vector_load %arg10[%swap3A_86, %swap3A_87] {strides = array<i32>} : memref<128x128xf32, #tpu.memory_space<vmem>>, vector<1x16xf32>,
      %swap3A_89 = vector.shape_cast %swap3A_88 : vector<1x16xf32> to vector<16xf32>
      %swap3A_90 = vector.shape_cast %broadcast_in_dim3A_1 : vector<16xf32> to vector<1x16xf32>
      tpu.vector_store %arg10[%swap3A_86, %swap3A_87], %swap3A_90 {strides = array<i32>} : memref<128x128xf32, #tpu.memory_space<vmem>>, vector<1x16xf32>,
      %swap3A_91 = arith.index_cast %scan3A_61 : i32 to index
      %swap3A_92 = arith.constant 96 : index
      %swap3A_93 = tpu.vector_load %arg10[%swap3A_91, %swap3A_92] {strides = array<i32>} : memref<128x128xf32, #tpu.memory_space<vmem>>, vector<1x16xf32>,
      %swap3A_94 = vector.shape_cast %swap3A_93 : vector<1x16xf32> to vector<16xf32>
      %swap3A_95 = vector.shape_cast %broadcast_in_dim3A_1 : vector<16xf32> to vector<1x16xf32>
      tpu.vector_store %arg10[%swap3A_91, %swap3A_92], %swap3A_95 {strides = array<i32>} : memref<128x128xf32, #tpu.memory_space<vmem>>, vector<1x16xf32>,
      %swap3A_96 = arith.index_cast %scan3A_61 : i32 to index
      %swap3A_97 = arith.constant 112 : index
      %swap3A_98 = tpu.vector_load %arg10[%swap3A_96, %swap3A_97] {strides = array<i32>} : memref<128x128xf32, #tpu.memory_space<vmem>>, vector<1x16xf32>,
      %swap3A_99 = vector.shape_cast %swap3A_98 : vector<1x16xf32> to vector<16xf32>
      %swap3A_100 = vector.shape_cast %broadcast_in_dim3A_1 : vector<16xf32> to vector<1x16xf32>
      tpu.vector_store %arg10[%swap3A_96, %swap3A_97], %swap3A_100 {strides = array<i32>} : memref<128x128xf32, #tpu.memory_space<vmem>>, vector<1x16xf32>,
    }
    %scan3A_6 = arith.constant 128 : i32
    %mul3A_7 = arith.constant 640 : i32
    %mul3A_8 = arith.muli %arg1, %mul3A_7 : i32
    %add3A_9 = arith.constant 0 : i32
    %add3A_10 = arith.addi %mul3A_8, %add3A_9 : i32
    "tpu.region"() ({
      %run_scoped3A = tpu.sem_alloc : memref<!tpu.dma_semaphore, #tpu.memory_space<semaphore_mem>>
      %dma_start3A_61 = arith.constant 0 : i32
      %dma_start3A_62 = tpu.memref_slice %arg12[%add3A_10, %dma_start3A_61] : memref<10240x128xf32, #tpu.memory_space<vmem_shared>> -> memref<128x128xf32, #tpu.memory_space<vmem_shared>>
      %dma_start3A_63 = arith.constant 0 : i32
      %dma_start3A_64 = tpu.memref_slice %arg12[%add3A_10, %dma_start3A_63] : memref<10240x128xf32, #tpu.memory_space<vmem_shared>> -> memref<128x128xf32, #tpu.memory_space<vmem_shared>>
      tpu.enqueue_dma source(%arg10 : memref<128x128xf32, #tpu.memory_space<vmem>>) target(%dma_start3A_64 : memref<128x128xf32, #tpu.memory_space<vmem_shared>>) target_semaphore(%run_scoped3A : memref<!tpu.dma_semaphore, #tpu.memory_space<semaphore_mem>>)
      %dma_wait3A_65 = arith.constant 0 : i32
      %dma_wait3A_66 = tpu.memref_slice %arg12[%add3A_10, %dma_wait3A_65] : memref<10240x128xf32, #tpu.memory_space<vmem_shared>> -> memref<128x128xf32, #tpu.memory_space<vmem_shared>>
      %dma_wait3A_67 = arith.constant 0 : i32
      %dma_wait3A_68 = tpu.memref_slice %arg12[%add3A_10, %dma_wait3A_67] : memref<10240x128xf32, #tpu.memory_space<vmem_shared>> -> memref<128x128xf32, #tpu.memory_space<vmem_shared>>
      tpu.wait_dma2 semaphore(%run_scoped3A : memref<!tpu.dma_semaphore, #tpu.memory_space<semaphore_mem>>) src(%arg10 : memref<128x128xf32, #tpu.memory_space<vmem>>) dst(%dma_wait3A_68 : memref<128x128xf32, #tpu.memory_space<vmem_shared>>)
      tpu.yield
    }) : () -> ()
    %mul3A_11 = arith.constant 640 : i32
    %mul3A_12 = arith.muli %arg1, %mul3A_11 : i32
    %add3A_13 = arith.constant 128 : i32
    %add3A_14 = arith.addi %mul3A_12, %add3A_13 : i32
    "tpu.region"() ({
      %run_scoped3A = tpu.sem_alloc : memref<!tpu.dma_semaphore, #tpu.memory_space<semaphore_mem>>
      %dma_start3A_61 = arith.constant 0 : i32
      %dma_start3A_62 = tpu.memref_slice %arg12[%add3A_14, %dma_start3A_61] : memref<10240x128xf32, #tpu.memory_space<vmem_shared>> -> memref<128x128xf32, #tpu.memory_space<vmem_shared>>
      %dma_start3A_63 = arith.constant 0 : i32
      %dma_start3A_64 = tpu.memref_slice %arg12[%add3A_14, %dma_start3A_63] : memref<10240x128xf32, #tpu.memory_space<vmem_shared>> -> memref<128x128xf32, #tpu.memory_space<vmem_shared>>
      tpu.enqueue_dma source(%arg10 : memref<128x128xf32, #tpu.memory_space<vmem>>) target(%dma_start3A_64 : memref<128x128xf32, #tpu.memory_space<vmem_shared>>) target_semaphore(%run_scoped3A : memref<!tpu.dma_semaphore, #tpu.memory_space<semaphore_mem>>)
      %dma_wait3A_65 = arith.constant 0 : i32
      %dma_wait3A_66 = tpu.memref_slice %arg12[%add3A_14, %dma_wait3A_65] : memref<10240x128xf32, #tpu.memory_space<vmem_shared>> -> memref<128x128xf32, #tpu.memory_space<vmem_shared>>
      %dma_wait3A_67 = arith.constant 0 : i32
      %dma_wait3A_68 = tpu.memref_slice %arg12[%add3A_14, %dma_wait3A_67] : memref<10240x128xf32, #tpu.memory_space<vmem_shared>> -> memref<128x128xf32, #tpu.memory_space<vmem_shared>>
      tpu.wait_dma2 semaphore(%run_scoped3A : memref<!tpu.dma_semaphore, #tpu.memory_space<semaphore_mem>>) src(%arg10 : memref<128x128xf32, #tpu.memory_space<vmem>>) dst(%dma_wait3A_68 : memref<128x128xf32, #tpu.memory_space<vmem_shared>>)
      tpu.yield
    }) : () -> ()
    %mul3A_15 = arith.constant 640 : i32
    %mul3A_16 = arith.muli %arg1, %mul3A_15 : i32
    %add3A_17 = arith.constant 256 : i32
    %add3A_18 = arith.addi %mul3A_16, %add3A_17 : i32
    "tpu.region"() ({
      %run_scoped3A = tpu.sem_alloc : memref<!tpu.dma_semaphore, #tpu.memory_space<semaphore_mem>>
      %dma_start3A_61 = arith.constant 0 : i32
      %dma_start3A_62 = tpu.memref_slice %arg12[%add3A_18, %dma_start3A_61] : memref<10240x128xf32, #tpu.memory_space<vmem_shared>> -> memref<128x128xf32, #tpu.memory_space<vmem_shared>>
      %dma_start3A_63 = arith.constant 0 : i32
      %dma_start3A_64 = tpu.memref_slice %arg12[%add3A_18, %dma_start3A_63] : memref<10240x128xf32, #tpu.memory_space<vmem_shared>> -> memref<128x128xf32, #tpu.memory_space<vmem_shared>>
      tpu.enqueue_dma source(%arg10 : memref<128x128xf32, #tpu.memory_space<vmem>>) target(%dma_start3A_64 : memref<128x128xf32, #tpu.memory_space<vmem_shared>>) target_semaphore(%run_scoped3A : memref<!tpu.dma_semaphore, #tpu.memory_space<semaphore_mem>>)
      %dma_wait3A_65 = arith.constant 0 : i32
      %dma_wait3A_66 = tpu.memref_slice %arg12[%add3A_18, %dma_wait3A_65] : memref<10240x128xf32, #tpu.memory_space<vmem_shared>> -> memref<128x128xf32, #tpu.memory_space<vmem_shared>>
      %dma_wait3A_67 = arith.constant 0 : i32
      %dma_wait3A_68 = tpu.memref_slice %arg12[%add3A_18, %dma_wait3A_67] : memref<10240x128xf32, #tpu.memory_space<vmem_shared>> -> memref<128x128xf32, #tpu.memory_space<vmem_shared>>
      tpu.wait_dma2 semaphore(%run_scoped3A : memref<!tpu.dma_semaphore, #tpu.memory_space<semaphore_mem>>) src(%arg10 : memref<128x128xf32, #tpu.memory_space<vmem>>) dst(%dma_wait3A_68 : memref<128x128xf32, #tpu.memory_space<vmem_shared>>)
      tpu.yield
    }) : () -> ()
    %mul3A_19 = arith.constant 640 : i32
    %mul3A_20 = arith.muli %arg1, %mul3A_19 : i32
    %add3A_21 = arith.constant 384 : i32
    %add3A_22 = arith.addi %mul3A_20, %add3A_21 : i32
    "tpu.region"() ({
      %run_scoped3A = tpu.sem_alloc : memref<!tpu.dma_semaphore, #tpu.memory_space<semaphore_mem>>
      %dma_start3A_61 = arith.constant 0 : i32
      %dma_start3A_62 = tpu.memref_slice %arg12[%add3A_22, %dma_start3A_61] : memref<10240x128xf32, #tpu.memory_space<vmem_shared>> -> memref<128x128xf32, #tpu.memory_space<vmem_shared>>
      %dma_start3A_63 = arith.constant 0 : i32
      %dma_start3A_64 = tpu.memref_slice %arg12[%add3A_22, %dma_start3A_63] : memref<10240x128xf32, #tpu.memory_space<vmem_shared>> -> memref<128x128xf32, #tpu.memory_space<vmem_shared>>
      tpu.enqueue_dma source(%arg10 : memref<128x128xf32, #tpu.memory_space<vmem>>) target(%dma_start3A_64 : memref<128x128xf32, #tpu.memory_space<vmem_shared>>) target_semaphore(%run_scoped3A : memref<!tpu.dma_semaphore, #tpu.memory_space<semaphore_mem>>)
      %dma_wait3A_65 = arith.constant 0 : i32
      %dma_wait3A_66 = tpu.memref_slice %arg12[%add3A_22, %dma_wait3A_65] : memref<10240x128xf32, #tpu.memory_space<vmem_shared>> -> memref<128x128xf32, #tpu.memory_space<vmem_shared>>
      %dma_wait3A_67 = arith.constant 0 : i32
      %dma_wait3A_68 = tpu.memref_slice %arg12[%add3A_22, %dma_wait3A_67] : memref<10240x128xf32, #tpu.memory_space<vmem_shared>> -> memref<128x128xf32, #tpu.memory_space<vmem_shared>>
      tpu.wait_dma2 semaphore(%run_scoped3A : memref<!tpu.dma_semaphore, #tpu.memory_space<semaphore_mem>>) src(%arg10 : memref<128x128xf32, #tpu.memory_space<vmem>>) dst(%dma_wait3A_68 : memref<128x128xf32, #tpu.memory_space<vmem_shared>>)
      tpu.yield
    }) : () -> ()
    %mul3A_23 = arith.constant 640 : i32
    %mul3A_24 = arith.muli %arg1, %mul3A_23 : i32
    %add3A_25 = arith.constant 512 : i32
    %add3A_26 = arith.addi %mul3A_24, %add3A_25 : i32
    "tpu.region"() ({
      %run_scoped3A = tpu.sem_alloc : memref<!tpu.dma_semaphore, #tpu.memory_space<semaphore_mem>>
      %dma_start3A_61 = arith.constant 0 : i32
      %dma_start3A_62 = tpu.memref_slice %arg12[%add3A_26, %dma_start3A_61] : memref<10240x128xf32, #tpu.memory_space<vmem_shared>> -> memref<128x128xf32, #tpu.memory_space<vmem_shared>>
      %dma_start3A_63 = arith.constant 0 : i32
      %dma_start3A_64 = tpu.memref_slice %arg12[%add3A_26, %dma_start3A_63] : memref<10240x128xf32, #tpu.memory_space<vmem_shared>> -> memref<128x128xf32, #tpu.memory_space<vmem_shared>>
      tpu.enqueue_dma source(%arg10 : memref<128x128xf32, #tpu.memory_space<vmem>>) target(%dma_start3A_64 : memref<128x128xf32, #tpu.memory_space<vmem_shared>>) target_semaphore(%run_scoped3A : memref<!tpu.dma_semaphore, #tpu.memory_space<semaphore_mem>>)
      %dma_wait3A_65 = arith.constant 0 : i32
      %dma_wait3A_66 = tpu.memref_slice %arg12[%add3A_26, %dma_wait3A_65] : memref<10240x128xf32, #tpu.memory_space<vmem_shared>> -> memref<128x128xf32, #tpu.memory_space<vmem_shared>>
      %dma_wait3A_67 = arith.constant 0 : i32
      %dma_wait3A_68 = tpu.memref_slice %arg12[%add3A_26, %dma_wait3A_67] : memref<10240x128xf32, #tpu.memory_space<vmem_shared>> -> memref<128x128xf32, #tpu.memory_space<vmem_shared>>
      tpu.wait_dma2 semaphore(%run_scoped3A : memref<!tpu.dma_semaphore, #tpu.memory_space<semaphore_mem>>) src(%arg10 : memref<128x128xf32, #tpu.memory_space<vmem>>) dst(%dma_wait3A_68 : memref<128x128xf32, #tpu.memory_space<vmem_shared>>)
      tpu.yield
    }) : () -> ()
    %broadcast_in_dim3A_27 = arith.constant 16383 : i32
    %broadcast_in_dim3A_28 = vector.broadcast %broadcast_in_dim3A_27 : i32 to vector<16xi32>
    %broadcast_in_dim3A_29 = arith.constant 14 : i32
    %broadcast_in_dim3A_30 = vector.broadcast %broadcast_in_dim3A_29 : i32 to vector<16xi32>
    %barrier3A = arith.constant 0 : index
    tpu.barrier barrier_id(%barrier3A)
    %scan3A_31 = arith.constant 0 : i32
    %scan3A_32 = arith.constant 0 : i32
    %scan3A_33 = arith.constant 40 : i32
    %scan3A_34 = arith.addi %scan3A_32, %scan3A_33 : i32
    %scan3A_35 = arith.constant 1 : i32
    scf.for %scan3A_61 = %scan3A_32 to %scan3A_34 step %scan3A_35  : i32 {
      %mul3A_62 = arith.constant 2 : i32
      %mul3A_63 = arith.muli %mul3A_62, %scan3A_61 : i32
      %add3A_64 = arith.constant 0 : i32
      %add3A_65 = arith.addi %mul3A_63, %add3A_64 : i32
      %gt3A = arith.constant 0 : i32
      %gt3A_66 = arith.cmpi sgt, %scan3A_61, %gt3A : i32
      %convert_element_type3A = arith.extui %gt3A_66 : i1 to i32
      %cond3A = arith.constant 0 : i32
      %cond3A_67 = arith.cmpi ne, %convert_element_type3A, %cond3A : i32
      scf.if %cond3A_67 {
        %dma_wait3A_317 = arith.constant 0 : i32
        %dma_wait3A_318 = arith.constant 0 : i32
        %dma_wait3A_319 = tpu.memref_slice %arg2[%dma_wait3A_317, %dma_wait3A_318] : memref<10000x128xf32, #tpu.memory_space<hbm>> -> memref<128x128xf32, #tpu.memory_space<hbm>>
        %dma_wait3A_320 = arith.constant 0 : i32
        %dma_wait3A_321 = arith.constant 0 : i32
        %dma_wait3A_322 = tpu.memref_slice %arg2[%dma_wait3A_320, %dma_wait3A_321] : memref<10000x128xf32, #tpu.memory_space<hbm>> -> memref<128x128xf32, #tpu.memory_space<hbm>>
        tpu.wait_dma2 semaphore(%arg15 : memref<!tpu.dma_semaphore, #tpu.memory_space<semaphore_mem>>) src(%dma_wait3A_322 : memref<128x128xf32, #tpu.memory_space<hbm>>) dst(%arg10 : memref<128x128xf32, #tpu.memory_space<vmem>>)
      } else {
      }
      %get3A = arith.index_cast %add3A_65 : i32 to index
      %get3A_68 = arith.constant 0 : index
      %get3A_69 = tpu.vector_load %arg5[%get3A, %get3A_68] {strides = array<i32>} : memref<80x128xi32, #tpu.memory_space<vmem>>, vector<1x16xi32>,
      %get3A_70 = vector.shape_cast %get3A_69 : vector<1x16xi32> to vector<16xi32>
      %and3A = arith.andi %get3A_70, %broadcast_in_dim3A_28 : vector<16xi32>
      %swap3A = arith.constant 0 : index
      %swap3A_71 = tpu.vector_load %arg6[%swap3A] {strides = array<i32>} : memref<128xi32, #tpu.memory_space<vmem>>, vector<16xi32>,
      %swap3A_72 = vector.shape_cast %swap3A_71 : vector<16xi32> to vector<16xi32>
      %swap3A_73 = vector.shape_cast %and3A : vector<16xi32> to vector<16xi32>
      tpu.vector_store %arg6[%swap3A], %swap3A_73 {strides = array<i32>} : memref<128xi32, #tpu.memory_space<vmem>>, vector<16xi32>,
      %shift_right_logical3A = arith.shrui %get3A_70, %broadcast_in_dim3A_30 : vector<16xi32>
      %swap3A_74 = arith.constant 0 : index
      %swap3A_75 = tpu.vector_load %arg8[%swap3A_74] {strides = array<i32>} : memref<128xi32, #tpu.memory_space<vmem>>, vector<16xi32>,
      %swap3A_76 = vector.shape_cast %swap3A_75 : vector<16xi32> to vector<16xi32>
      %swap3A_77 = vector.shape_cast %shift_right_logical3A : vector<16xi32> to vector<16xi32>
      tpu.vector_store %arg8[%swap3A_74], %swap3A_77 {strides = array<i32>} : memref<128xi32, #tpu.memory_space<vmem>>, vector<16xi32>,
      %get3A_78 = arith.index_cast %add3A_65 : i32 to index
      %get3A_79 = arith.constant 16 : index
      %get3A_80 = tpu.vector_load %arg5[%get3A_78, %get3A_79] {strides = array<i32>} : memref<80x128xi32, #tpu.memory_space<vmem>>, vector<1x16xi32>,
      %get3A_81 = vector.shape_cast %get3A_80 : vector<1x16xi32> to vector<16xi32>
      %and3A_82 = arith.andi %get3A_81, %broadcast_in_dim3A_28 : vector<16xi32>
      %swap3A_83 = arith.constant 16 : index
      %swap3A_84 = tpu.vector_load %arg6[%swap3A_83] {strides = array<i32>} : memref<128xi32, #tpu.memory_space<vmem>>, vector<16xi32>,
      %swap3A_85 = vector.shape_cast %swap3A_84 : vector<16xi32> to vector<16xi32>
      %swap3A_86 = vector.shape_cast %and3A_82 : vector<16xi32> to vector<16xi32>
      tpu.vector_store %arg6[%swap3A_83], %swap3A_86 {strides = array<i32>} : memref<128xi32, #tpu.memory_space<vmem>>, vector<16xi32>,
      %shift_right_logical3A_87 = arith.shrui %get3A_81, %broadcast_in_dim3A_30 : vector<16xi32>
      %swap3A_88 = arith.constant 16 : index
      %swap3A_89 = tpu.vector_load %arg8[%swap3A_88] {strides = array<i32>} : memref<128xi32, #tpu.memory_space<vmem>>, vector<16xi32>,
      %swap3A_90 = vector.shape_cast %swap3A_89 : vector<16xi32> to vector<16xi32>
      %swap3A_91 = vector.shape_cast %shift_right_logical3A_87 : vector<16xi32> to vector<16xi32>
      tpu.vector_store %arg8[%swap3A_88], %swap3A_91 {strides = array<i32>} : memref<128xi32, #tpu.memory_space<vmem>>, vector<16xi32>,
      %get3A_92 = arith.index_cast %add3A_65 : i32 to index
      %get3A_93 = arith.constant 32 : index
      %get3A_94 = tpu.vector_load %arg5[%get3A_92, %get3A_93] {strides = array<i32>} : memref<80x128xi32, #tpu.memory_space<vmem>>, vector<1x16xi32>,
      %get3A_95 = vector.shape_cast %get3A_94 : vector<1x16xi32> to vector<16xi32>
      %and3A_96 = arith.andi %get3A_95, %broadcast_in_dim3A_28 : vector<16xi32>
      %swap3A_97 = arith.constant 32 : index
      %swap3A_98 = tpu.vector_load %arg6[%swap3A_97] {strides = array<i32>} : memref<128xi32, #tpu.memory_space<vmem>>, vector<16xi32>,
      %swap3A_99 = vector.shape_cast %swap3A_98 : vector<16xi32> to vector<16xi32>
      %swap3A_100 = vector.shape_cast %and3A_96 : vector<16xi32> to vector<16xi32>
      tpu.vector_store %arg6[%swap3A_97], %swap3A_100 {strides = array<i32>} : memref<128xi32, #tpu.memory_space<vmem>>, vector<16xi32>,
      %shift_right_logical3A_101 = arith.shrui %get3A_95, %broadcast_in_dim3A_30 : vector<16xi32>
      %swap3A_102 = arith.constant 32 : index
      %swap3A_103 = tpu.vector_load %arg8[%swap3A_102] {strides = array<i32>} : memref<128xi32, #tpu.memory_space<vmem>>, vector<16xi32>,
      %swap3A_104 = vector.shape_cast %swap3A_103 : vector<16xi32> to vector<16xi32>
      %swap3A_105 = vector.shape_cast %shift_right_logical3A_101 : vector<16xi32> to vector<16xi32>
      tpu.vector_store %arg8[%swap3A_102], %swap3A_105 {strides = array<i32>} : memref<128xi32, #tpu.memory_space<vmem>>, vector<16xi32>,
      %get3A_106 = arith.index_cast %add3A_65 : i32 to index
      %get3A_107 = arith.constant 48 : index
      %get3A_108 = tpu.vector_load %arg5[%get3A_106, %get3A_107] {strides = array<i32>} : memref<80x128xi32, #tpu.memory_space<vmem>>, vector<1x16xi32>,
      %get3A_109 = vector.shape_cast %get3A_108 : vector<1x16xi32> to vector<16xi32>
      %and3A_110 = arith.andi %get3A_109, %broadcast_in_dim3A_28 : vector<16xi32>
      %swap3A_111 = arith.constant 48 : index
      %swap3A_112 = tpu.vector_load %arg6[%swap3A_111] {strides = array<i32>} : memref<128xi32, #tpu.memory_space<vmem>>, vector<16xi32>,
      %swap3A_113 = vector.shape_cast %swap3A_112 : vector<16xi32> to vector<16xi32>
      %swap3A_114 = vector.shape_cast %and3A_110 : vector<16xi32> to vector<16xi32>
      tpu.vector_store %arg6[%swap3A_111], %swap3A_114 {strides = array<i32>} : memref<128xi32, #tpu.memory_space<vmem>>, vector<16xi32>,
      %shift_right_logical3A_115 = arith.shrui %get3A_109, %broadcast_in_dim3A_30 : vector<16xi32>
      %swap3A_116 = arith.constant 48 : index
      %swap3A_117 = tpu.vector_load %arg8[%swap3A_116] {strides = array<i32>} : memref<128xi32, #tpu.memory_space<vmem>>, vector<16xi32>,
      %swap3A_118 = vector.shape_cast %swap3A_117 : vector<16xi32> to vector<16xi32>
      %swap3A_119 = vector.shape_cast %shift_right_logical3A_115 : vector<16xi32> to vector<16xi32>
      tpu.vector_store %arg8[%swap3A_116], %swap3A_119 {strides = array<i32>} : memref<128xi32, #tpu.memory_space<vmem>>, vector<16xi32>,
      %get3A_120 = arith.index_cast %add3A_65 : i32 to index
      %get3A_121 = arith.constant 64 : index
      %get3A_122 = tpu.vector_load %arg5[%get3A_120, %get3A_121] {strides = array<i32>} : memref<80x128xi32, #tpu.memory_space<vmem>>, vector<1x16xi32>,
      %get3A_123 = vector.shape_cast %get3A_122 : vector<1x16xi32> to vector<16xi32>
      %and3A_124 = arith.andi %get3A_123, %broadcast_in_dim3A_28 : vector<16xi32>
      %swap3A_125 = arith.constant 64 : index
      %swap3A_126 = tpu.vector_load %arg6[%swap3A_125] {strides = array<i32>} : memref<128xi32, #tpu.memory_space<vmem>>, vector<16xi32>,
      %swap3A_127 = vector.shape_cast %swap3A_126 : vector<16xi32> to vector<16xi32>
      %swap3A_128 = vector.shape_cast %and3A_124 : vector<16xi32> to vector<16xi32>
      tpu.vector_store %arg6[%swap3A_125], %swap3A_128 {strides = array<i32>} : memref<128xi32, #tpu.memory_space<vmem>>, vector<16xi32>,
      %shift_right_logical3A_129 = arith.shrui %get3A_123, %broadcast_in_dim3A_30 : vector<16xi32>
      %swap3A_130 = arith.constant 64 : index
      %swap3A_131 = tpu.vector_load %arg8[%swap3A_130] {strides = array<i32>} : memref<128xi32, #tpu.memory_space<vmem>>, vector<16xi32>,
      %swap3A_132 = vector.shape_cast %swap3A_131 : vector<16xi32> to vector<16xi32>
      %swap3A_133 = vector.shape_cast %shift_right_logical3A_129 : vector<16xi32> to vector<16xi32>
      tpu.vector_store %arg8[%swap3A_130], %swap3A_133 {strides = array<i32>} : memref<128xi32, #tpu.memory_space<vmem>>, vector<16xi32>,
      %get3A_134 = arith.index_cast %add3A_65 : i32 to index
      %get3A_135 = arith.constant 80 : index
      %get3A_136 = tpu.vector_load %arg5[%get3A_134, %get3A_135] {strides = array<i32>} : memref<80x128xi32, #tpu.memory_space<vmem>>, vector<1x16xi32>,
      %get3A_137 = vector.shape_cast %get3A_136 : vector<1x16xi32> to vector<16xi32>
      %and3A_138 = arith.andi %get3A_137, %broadcast_in_dim3A_28 : vector<16xi32>
      %swap3A_139 = arith.constant 80 : index
      %swap3A_140 = tpu.vector_load %arg6[%swap3A_139] {strides = array<i32>} : memref<128xi32, #tpu.memory_space<vmem>>, vector<16xi32>,
      %swap3A_141 = vector.shape_cast %swap3A_140 : vector<16xi32> to vector<16xi32>
      %swap3A_142 = vector.shape_cast %and3A_138 : vector<16xi32> to vector<16xi32>
      tpu.vector_store %arg6[%swap3A_139], %swap3A_142 {strides = array<i32>} : memref<128xi32, #tpu.memory_space<vmem>>, vector<16xi32>,
      %shift_right_logical3A_143 = arith.shrui %get3A_137, %broadcast_in_dim3A_30 : vector<16xi32>
      %swap3A_144 = arith.constant 80 : index
      %swap3A_145 = tpu.vector_load %arg8[%swap3A_144] {strides = array<i32>} : memref<128xi32, #tpu.memory_space<vmem>>, vector<16xi32>,
      %swap3A_146 = vector.shape_cast %swap3A_145 : vector<16xi32> to vector<16xi32>
      %swap3A_147 = vector.shape_cast %shift_right_logical3A_143 : vector<16xi32> to vector<16xi32>
      tpu.vector_store %arg8[%swap3A_144], %swap3A_147 {strides = array<i32>} : memref<128xi32, #tpu.memory_space<vmem>>, vector<16xi32>,
      %get3A_148 = arith.index_cast %add3A_65 : i32 to index
      %get3A_149 = arith.constant 96 : index
      %get3A_150 = tpu.vector_load %arg5[%get3A_148, %get3A_149] {strides = array<i32>} : memref<80x128xi32, #tpu.memory_space<vmem>>, vector<1x16xi32>,
      %get3A_151 = vector.shape_cast %get3A_150 : vector<1x16xi32> to vector<16xi32>
      %and3A_152 = arith.andi %get3A_151, %broadcast_in_dim3A_28 : vector<16xi32>
      %swap3A_153 = arith.constant 96 : index
      %swap3A_154 = tpu.vector_load %arg6[%swap3A_153] {strides = array<i32>} : memref<128xi32, #tpu.memory_space<vmem>>, vector<16xi32>,
      %swap3A_155 = vector.shape_cast %swap3A_154 : vector<16xi32> to vector<16xi32>
      %swap3A_156 = vector.shape_cast %and3A_152 : vector<16xi32> to vector<16xi32>
      tpu.vector_store %arg6[%swap3A_153], %swap3A_156 {strides = array<i32>} : memref<128xi32, #tpu.memory_space<vmem>>, vector<16xi32>,
      %shift_right_logical3A_157 = arith.shrui %get3A_151, %broadcast_in_dim3A_30 : vector<16xi32>
      %swap3A_158 = arith.constant 96 : index
      %swap3A_159 = tpu.vector_load %arg8[%swap3A_158] {strides = array<i32>} : memref<128xi32, #tpu.memory_space<vmem>>, vector<16xi32>,
      %swap3A_160 = vector.shape_cast %swap3A_159 : vector<16xi32> to vector<16xi32>
      %swap3A_161 = vector.shape_cast %shift_right_logical3A_157 : vector<16xi32> to vector<16xi32>
      tpu.vector_store %arg8[%swap3A_158], %swap3A_161 {strides = array<i32>} : memref<128xi32, #tpu.memory_space<vmem>>, vector<16xi32>,
      %get3A_162 = arith.index_cast %add3A_65 : i32 to index
      %get3A_163 = arith.constant 112 : index
      %get3A_164 = tpu.vector_load %arg5[%get3A_162, %get3A_163] {strides = array<i32>} : memref<80x128xi32, #tpu.memory_space<vmem>>, vector<1x16xi32>,
      %get3A_165 = vector.shape_cast %get3A_164 : vector<1x16xi32> to vector<16xi32>
      %and3A_166 = arith.andi %get3A_165, %broadcast_in_dim3A_28 : vector<16xi32>
      %swap3A_167 = arith.constant 112 : index
      %swap3A_168 = tpu.vector_load %arg6[%swap3A_167] {strides = array<i32>} : memref<128xi32, #tpu.memory_space<vmem>>, vector<16xi32>,
      %swap3A_169 = vector.shape_cast %swap3A_168 : vector<16xi32> to vector<16xi32>
      %swap3A_170 = vector.shape_cast %and3A_166 : vector<16xi32> to vector<16xi32>
      tpu.vector_store %arg6[%swap3A_167], %swap3A_170 {strides = array<i32>} : memref<128xi32, #tpu.memory_space<vmem>>, vector<16xi32>,
      %shift_right_logical3A_171 = arith.shrui %get3A_165, %broadcast_in_dim3A_30 : vector<16xi32>
      %swap3A_172 = arith.constant 112 : index
      %swap3A_173 = tpu.vector_load %arg8[%swap3A_172] {strides = array<i32>} : memref<128xi32, #tpu.memory_space<vmem>>, vector<16xi32>,
      %swap3A_174 = vector.shape_cast %swap3A_173 : vector<16xi32> to vector<16xi32>
      %swap3A_175 = vector.shape_cast %shift_right_logical3A_171 : vector<16xi32> to vector<16xi32>
      tpu.vector_store %arg8[%swap3A_172], %swap3A_175 {strides = array<i32>} : memref<128xi32, #tpu.memory_space<vmem>>, vector<16xi32>,
      %dma_start3A_176 = arith.constant 0 : i32
      %dma_start3A_177 = arith.constant 0 : i32
      %dma_start3A_178 = tpu.memref_slice %arg2[%dma_start3A_176, %dma_start3A_177] : memref<10000x128xf32, #tpu.memory_space<hbm>> -> memref<10000x128xf32, #tpu.memory_space<hbm>>
      tpu.enqueue_indirect_dma source(%dma_start3A_178 : memref<10000x128xf32, #tpu.memory_space<hbm>>) target(%arg10 : memref<128x128xf32, #tpu.memory_space<vmem>>) offsets(%arg6 : memref<128xi32, #tpu.memory_space<vmem>>) semaphore(%arg13 : memref<!tpu.dma_semaphore, #tpu.memory_space<semaphore_mem>>)
      %gt3A_179 = arith.constant 0 : i32
      %gt3A_180 = arith.cmpi sgt, %scan3A_61, %gt3A_179 : i32
      %convert_element_type3A_181 = arith.extui %gt3A_180 : i1 to i32
      %cond3A_182 = arith.constant 0 : i32
      %cond3A_183 = arith.cmpi ne, %convert_element_type3A_181, %cond3A_182 : i32
      scf.if %cond3A_183 {
        %dma_wait3A_317 = arith.constant 0 : i32
        %dma_wait3A_318 = arith.constant 0 : i32
        %dma_wait3A_319 = tpu.memref_slice %arg2[%dma_wait3A_317, %dma_wait3A_318] : memref<10000x128xf32, #tpu.memory_space<hbm>> -> memref<128x128xf32, #tpu.memory_space<hbm>>
        %dma_wait3A_320 = arith.constant 0 : i32
        %dma_wait3A_321 = arith.constant 0 : i32
        %dma_wait3A_322 = tpu.memref_slice %arg2[%dma_wait3A_320, %dma_wait3A_321] : memref<10000x128xf32, #tpu.memory_space<hbm>> -> memref<128x128xf32, #tpu.memory_space<hbm>>
        tpu.wait_dma2 semaphore(%arg14 : memref<!tpu.dma_semaphore, #tpu.memory_space<semaphore_mem>>) src(%dma_wait3A_322 : memref<128x128xf32, #tpu.memory_space<hbm>>) dst(%arg11 : memref<128x128xf32, #tpu.memory_space<vmem>>)
        %dma_start3A_323 = arith.constant 0 : i32
        %dma_start3A_324 = arith.constant 0 : i32
        %dma_start3A_325 = tpu.memref_slice %arg12[%dma_start3A_323, %dma_start3A_324] : memref<10240x128xf32, #tpu.memory_space<vmem_shared>> -> memref<10240x128xf32, #tpu.memory_space<vmem_shared>>
        tpu.enqueue_indirect_dma source(%arg11 : memref<128x128xf32, #tpu.memory_space<vmem>>) target(%dma_start3A_325 : memref<10240x128xf32, #tpu.memory_space<vmem_shared>>) offsets(%arg9 : memref<128xi32, #tpu.memory_space<vmem>>) semaphore(%arg16 : memref<!tpu.dma_semaphore, #tpu.memory_space<semaphore_mem>>) {add = true}
      } else {
      }
      %mul3A_184 = arith.constant 2 : i32
      %mul3A_185 = arith.muli %mul3A_184, %scan3A_61 : i32
      %add3A_186 = arith.constant 1 : i32
      %add3A_187 = arith.addi %mul3A_185, %add3A_186 : i32
      %gt3A_188 = arith.constant 0 : i32
      %gt3A_189 = arith.cmpi sgt, %scan3A_61, %gt3A_188 : i32
      %convert_element_type3A_190 = arith.extui %gt3A_189 : i1 to i32
      %cond3A_191 = arith.constant 0 : i32
      %cond3A_192 = arith.cmpi ne, %convert_element_type3A_190, %cond3A_191 : i32
      scf.if %cond3A_192 {
        %dma_wait3A_317 = arith.constant 0 : i32
        %dma_wait3A_318 = arith.constant 0 : i32
        %dma_wait3A_319 = tpu.memref_slice %arg2[%dma_wait3A_317, %dma_wait3A_318] : memref<10000x128xf32, #tpu.memory_space<hbm>> -> memref<128x128xf32, #tpu.memory_space<hbm>>
        %dma_wait3A_320 = arith.constant 0 : i32
        %dma_wait3A_321 = arith.constant 0 : i32
        %dma_wait3A_322 = tpu.memref_slice %arg2[%dma_wait3A_320, %dma_wait3A_321] : memref<10000x128xf32, #tpu.memory_space<hbm>> -> memref<128x128xf32, #tpu.memory_space<hbm>>
        tpu.wait_dma2 semaphore(%arg16 : memref<!tpu.dma_semaphore, #tpu.memory_space<semaphore_mem>>) src(%dma_wait3A_322 : memref<128x128xf32, #tpu.memory_space<hbm>>) dst(%arg11 : memref<128x128xf32, #tpu.memory_space<vmem>>)
      } else {
      }
      %get3A_193 = arith.index_cast %add3A_187 : i32 to index
      %get3A_194 = arith.constant 0 : index
      %get3A_195 = tpu.vector_load %arg5[%get3A_193, %get3A_194] {strides = array<i32>} : memref<80x128xi32, #tpu.memory_space<vmem>>, vector<1x16xi32>,
      %get3A_196 = vector.shape_cast %get3A_195 : vector<1x16xi32> to vector<16xi32>
      %and3A_197 = arith.andi %get3A_196, %broadcast_in_dim3A_28 : vector<16xi32>
      %swap3A_198 = arith.constant 0 : index
      %swap3A_199 = tpu.vector_load %arg7[%swap3A_198] {strides = array<i32>} : memref<128xi32, #tpu.memory_space<vmem>>, vector<16xi32>,
      %swap3A_200 = vector.shape_cast %swap3A_199 : vector<16xi32> to vector<16xi32>
      %swap3A_201 = vector.shape_cast %and3A_197 : vector<16xi32> to vector<16xi32>
      tpu.vector_store %arg7[%swap3A_198], %swap3A_201 {strides = array<i32>} : memref<128xi32, #tpu.memory_space<vmem>>, vector<16xi32>,
      %shift_right_logical3A_202 = arith.shrui %get3A_196, %broadcast_in_dim3A_30 : vector<16xi32>
      %swap3A_203 = arith.constant 0 : index
      %swap3A_204 = tpu.vector_load %arg9[%swap3A_203] {strides = array<i32>} : memref<128xi32, #tpu.memory_space<vmem>>, vector<16xi32>,
      %swap3A_205 = vector.shape_cast %swap3A_204 : vector<16xi32> to vector<16xi32>
      %swap3A_206 = vector.shape_cast %shift_right_logical3A_202 : vector<16xi32> to vector<16xi32>
      tpu.vector_store %arg9[%swap3A_203], %swap3A_206 {strides = array<i32>} : memref<128xi32, #tpu.memory_space<vmem>>, vector<16xi32>,
      %get3A_207 = arith.index_cast %add3A_187 : i32 to index
      %get3A_208 = arith.constant 16 : index
      %get3A_209 = tpu.vector_load %arg5[%get3A_207, %get3A_208] {strides = array<i32>} : memref<80x128xi32, #tpu.memory_space<vmem>>, vector<1x16xi32>,
      %get3A_210 = vector.shape_cast %get3A_209 : vector<1x16xi32> to vector<16xi32>
      %and3A_211 = arith.andi %get3A_210, %broadcast_in_dim3A_28 : vector<16xi32>
      %swap3A_212 = arith.constant 16 : index
      %swap3A_213 = tpu.vector_load %arg7[%swap3A_212] {strides = array<i32>} : memref<128xi32, #tpu.memory_space<vmem>>, vector<16xi32>,
      %swap3A_214 = vector.shape_cast %swap3A_213 : vector<16xi32> to vector<16xi32>
      %swap3A_215 = vector.shape_cast %and3A_211 : vector<16xi32> to vector<16xi32>
      tpu.vector_store %arg7[%swap3A_212], %swap3A_215 {strides = array<i32>} : memref<128xi32, #tpu.memory_space<vmem>>, vector<16xi32>,
      %shift_right_logical3A_216 = arith.shrui %get3A_210, %broadcast_in_dim3A_30 : vector<16xi32>
      %swap3A_217 = arith.constant 16 : index
      %swap3A_218 = tpu.vector_load %arg9[%swap3A_217] {strides = array<i32>} : memref<128xi32, #tpu.memory_space<vmem>>, vector<16xi32>,
      %swap3A_219 = vector.shape_cast %swap3A_218 : vector<16xi32> to vector<16xi32>
      %swap3A_220 = vector.shape_cast %shift_right_logical3A_216 : vector<16xi32> to vector<16xi32>
      tpu.vector_store %arg9[%swap3A_217], %swap3A_220 {strides = array<i32>} : memref<128xi32, #tpu.memory_space<vmem>>, vector<16xi32>,
      %get3A_221 = arith.index_cast %add3A_187 : i32 to index
      %get3A_222 = arith.constant 32 : index
      %get3A_223 = tpu.vector_load %arg5[%get3A_221, %get3A_222] {strides = array<i32>} : memref<80x128xi32, #tpu.memory_space<vmem>>, vector<1x16xi32>,
      %get3A_224 = vector.shape_cast %get3A_223 : vector<1x16xi32> to vector<16xi32>
      %and3A_225 = arith.andi %get3A_224, %broadcast_in_dim3A_28 : vector<16xi32>
      %swap3A_226 = arith.constant 32 : index
      %swap3A_227 = tpu.vector_load %arg7[%swap3A_226] {strides = array<i32>} : memref<128xi32, #tpu.memory_space<vmem>>, vector<16xi32>,
      %swap3A_228 = vector.shape_cast %swap3A_227 : vector<16xi32> to vector<16xi32>
      %swap3A_229 = vector.shape_cast %and3A_225 : vector<16xi32> to vector<16xi32>
      tpu.vector_store %arg7[%swap3A_226], %swap3A_229 {strides = array<i32>} : memref<128xi32, #tpu.memory_space<vmem>>, vector<16xi32>,
      %shift_right_logical3A_230 = arith.shrui %get3A_224, %broadcast_in_dim3A_30 : vector<16xi32>
      %swap3A_231 = arith.constant 32 : index
      %swap3A_232 = tpu.vector_load %arg9[%swap3A_231] {strides = array<i32>} : memref<128xi32, #tpu.memory_space<vmem>>, vector<16xi32>,
      %swap3A_233 = vector.shape_cast %swap3A_232 : vector<16xi32> to vector<16xi32>
      %swap3A_234 = vector.shape_cast %shift_right_logical3A_230 : vector<16xi32> to vector<16xi32>
      tpu.vector_store %arg9[%swap3A_231], %swap3A_234 {strides = array<i32>} : memref<128xi32, #tpu.memory_space<vmem>>, vector<16xi32>,
      %get3A_235 = arith.index_cast %add3A_187 : i32 to index
      %get3A_236 = arith.constant 48 : index
      %get3A_237 = tpu.vector_load %arg5[%get3A_235, %get3A_236] {strides = array<i32>} : memref<80x128xi32, #tpu.memory_space<vmem>>, vector<1x16xi32>,
      %get3A_238 = vector.shape_cast %get3A_237 : vector<1x16xi32> to vector<16xi32>
      %and3A_239 = arith.andi %get3A_238, %broadcast_in_dim3A_28 : vector<16xi32>
      %swap3A_240 = arith.constant 48 : index
      %swap3A_241 = tpu.vector_load %arg7[%swap3A_240] {strides = array<i32>} : memref<128xi32, #tpu.memory_space<vmem>>, vector<16xi32>,
      %swap3A_242 = vector.shape_cast %swap3A_241 : vector<16xi32> to vector<16xi32>
      %swap3A_243 = vector.shape_cast %and3A_239 : vector<16xi32> to vector<16xi32>
      tpu.vector_store %arg7[%swap3A_240], %swap3A_243 {strides = array<i32>} : memref<128xi32, #tpu.memory_space<vmem>>, vector<16xi32>,
      %shift_right_logical3A_244 = arith.shrui %get3A_238, %broadcast_in_dim3A_30 : vector<16xi32>
      %swap3A_245 = arith.constant 48 : index
      %swap3A_246 = tpu.vector_load %arg9[%swap3A_245] {strides = array<i32>} : memref<128xi32, #tpu.memory_space<vmem>>, vector<16xi32>,
      %swap3A_247 = vector.shape_cast %swap3A_246 : vector<16xi32> to vector<16xi32>
      %swap3A_248 = vector.shape_cast %shift_right_logical3A_244 : vector<16xi32> to vector<16xi32>
      tpu.vector_store %arg9[%swap3A_245], %swap3A_248 {strides = array<i32>} : memref<128xi32, #tpu.memory_space<vmem>>, vector<16xi32>,
      %get3A_249 = arith.index_cast %add3A_187 : i32 to index
      %get3A_250 = arith.constant 64 : index
      %get3A_251 = tpu.vector_load %arg5[%get3A_249, %get3A_250] {strides = array<i32>} : memref<80x128xi32, #tpu.memory_space<vmem>>, vector<1x16xi32>,
      %get3A_252 = vector.shape_cast %get3A_251 : vector<1x16xi32> to vector<16xi32>
      %and3A_253 = arith.andi %get3A_252, %broadcast_in_dim3A_28 : vector<16xi32>
      %swap3A_254 = arith.constant 64 : index
      %swap3A_255 = tpu.vector_load %arg7[%swap3A_254] {strides = array<i32>} : memref<128xi32, #tpu.memory_space<vmem>>, vector<16xi32>,
      %swap3A_256 = vector.shape_cast %swap3A_255 : vector<16xi32> to vector<16xi32>
      %swap3A_257 = vector.shape_cast %and3A_253 : vector<16xi32> to vector<16xi32>
      tpu.vector_store %arg7[%swap3A_254], %swap3A_257 {strides = array<i32>} : memref<128xi32, #tpu.memory_space<vmem>>, vector<16xi32>,
      %shift_right_logical3A_258 = arith.shrui %get3A_252, %broadcast_in_dim3A_30 : vector<16xi32>
      %swap3A_259 = arith.constant 64 : index
      %swap3A_260 = tpu.vector_load %arg9[%swap3A_259] {strides = array<i32>} : memref<128xi32, #tpu.memory_space<vmem>>, vector<16xi32>,
      %swap3A_261 = vector.shape_cast %swap3A_260 : vector<16xi32> to vector<16xi32>
      %swap3A_262 = vector.shape_cast %shift_right_logical3A_258 : vector<16xi32> to vector<16xi32>
      tpu.vector_store %arg9[%swap3A_259], %swap3A_262 {strides = array<i32>} : memref<128xi32, #tpu.memory_space<vmem>>, vector<16xi32>,
      %get3A_263 = arith.index_cast %add3A_187 : i32 to index
      %get3A_264 = arith.constant 80 : index
      %get3A_265 = tpu.vector_load %arg5[%get3A_263, %get3A_264] {strides = array<i32>} : memref<80x128xi32, #tpu.memory_space<vmem>>, vector<1x16xi32>,
      %get3A_266 = vector.shape_cast %get3A_265 : vector<1x16xi32> to vector<16xi32>
      %and3A_267 = arith.andi %get3A_266, %broadcast_in_dim3A_28 : vector<16xi32>
      %swap3A_268 = arith.constant 80 : index
      %swap3A_269 = tpu.vector_load %arg7[%swap3A_268] {strides = array<i32>} : memref<128xi32, #tpu.memory_space<vmem>>, vector<16xi32>,
      %swap3A_270 = vector.shape_cast %swap3A_269 : vector<16xi32> to vector<16xi32>
      %swap3A_271 = vector.shape_cast %and3A_267 : vector<16xi32> to vector<16xi32>
      tpu.vector_store %arg7[%swap3A_268], %swap3A_271 {strides = array<i32>} : memref<128xi32, #tpu.memory_space<vmem>>, vector<16xi32>,
      %shift_right_logical3A_272 = arith.shrui %get3A_266, %broadcast_in_dim3A_30 : vector<16xi32>
      %swap3A_273 = arith.constant 80 : index
      %swap3A_274 = tpu.vector_load %arg9[%swap3A_273] {strides = array<i32>} : memref<128xi32, #tpu.memory_space<vmem>>, vector<16xi32>,
      %swap3A_275 = vector.shape_cast %swap3A_274 : vector<16xi32> to vector<16xi32>
      %swap3A_276 = vector.shape_cast %shift_right_logical3A_272 : vector<16xi32> to vector<16xi32>
      tpu.vector_store %arg9[%swap3A_273], %swap3A_276 {strides = array<i32>} : memref<128xi32, #tpu.memory_space<vmem>>, vector<16xi32>,
      %get3A_277 = arith.index_cast %add3A_187 : i32 to index
      %get3A_278 = arith.constant 96 : index
      %get3A_279 = tpu.vector_load %arg5[%get3A_277, %get3A_278] {strides = array<i32>} : memref<80x128xi32, #tpu.memory_space<vmem>>, vector<1x16xi32>,
      %get3A_280 = vector.shape_cast %get3A_279 : vector<1x16xi32> to vector<16xi32>
      %and3A_281 = arith.andi %get3A_280, %broadcast_in_dim3A_28 : vector<16xi32>
      %swap3A_282 = arith.constant 96 : index
      %swap3A_283 = tpu.vector_load %arg7[%swap3A_282] {strides = array<i32>} : memref<128xi32, #tpu.memory_space<vmem>>, vector<16xi32>,
      %swap3A_284 = vector.shape_cast %swap3A_283 : vector<16xi32> to vector<16xi32>
      %swap3A_285 = vector.shape_cast %and3A_281 : vector<16xi32> to vector<16xi32>
      tpu.vector_store %arg7[%swap3A_282], %swap3A_285 {strides = array<i32>} : memref<128xi32, #tpu.memory_space<vmem>>, vector<16xi32>,
      %shift_right_logical3A_286 = arith.shrui %get3A_280, %broadcast_in_dim3A_30 : vector<16xi32>
      %swap3A_287 = arith.constant 96 : index
      %swap3A_288 = tpu.vector_load %arg9[%swap3A_287] {strides = array<i32>} : memref<128xi32, #tpu.memory_space<vmem>>, vector<16xi32>,
      %swap3A_289 = vector.shape_cast %swap3A_288 : vector<16xi32> to vector<16xi32>
      %swap3A_290 = vector.shape_cast %shift_right_logical3A_286 : vector<16xi32> to vector<16xi32>
      tpu.vector_store %arg9[%swap3A_287], %swap3A_290 {strides = array<i32>} : memref<128xi32, #tpu.memory_space<vmem>>, vector<16xi32>,
      %get3A_291 = arith.index_cast %add3A_187 : i32 to index
      %get3A_292 = arith.constant 112 : index
      %get3A_293 = tpu.vector_load %arg5[%get3A_291, %get3A_292] {strides = array<i32>} : memref<80x128xi32, #tpu.memory_space<vmem>>, vector<1x16xi32>,
      %get3A_294 = vector.shape_cast %get3A_293 : vector<1x16xi32> to vector<16xi32>
      %and3A_295 = arith.andi %get3A_294, %broadcast_in_dim3A_28 : vector<16xi32>
      %swap3A_296 = arith.constant 112 : index
      %swap3A_297 = tpu.vector_load %arg7[%swap3A_296] {strides = array<i32>} : memref<128xi32, #tpu.memory_space<vmem>>, vector<16xi32>,
      %swap3A_298 = vector.shape_cast %swap3A_297 : vector<16xi32> to vector<16xi32>
      %swap3A_299 = vector.shape_cast %and3A_295 : vector<16xi32> to vector<16xi32>
      tpu.vector_store %arg7[%swap3A_296], %swap3A_299 {strides = array<i32>} : memref<128xi32, #tpu.memory_space<vmem>>, vector<16xi32>,
      %shift_right_logical3A_300 = arith.shrui %get3A_294, %broadcast_in_dim3A_30 : vector<16xi32>
      %swap3A_301 = arith.constant 112 : index
      %swap3A_302 = tpu.vector_load %arg9[%swap3A_301] {strides = array<i32>} : memref<128xi32, #tpu.memory_space<vmem>>, vector<16xi32>,
      %swap3A_303 = vector.shape_cast %swap3A_302 : vector<16xi32> to vector<16xi32>
      %swap3A_304 = vector.shape_cast %shift_right_logical3A_300 : vector<16xi32> to vector<16xi32>
      tpu.vector_store %arg9[%swap3A_301], %swap3A_304 {strides = array<i32>} : memref<128xi32, #tpu.memory_space<vmem>>, vector<16xi32>,
      %dma_start3A_305 = arith.constant 0 : i32
      %dma_start3A_306 = arith.constant 0 : i32
      %dma_start3A_307 = tpu.memref_slice %arg2[%dma_start3A_305, %dma_start3A_306] : memref<10000x128xf32, #tpu.memory_space<hbm>> -> memref<10000x128xf32, #tpu.memory_space<hbm>>
      tpu.enqueue_indirect_dma source(%dma_start3A_307 : memref<10000x128xf32, #tpu.memory_space<hbm>>) target(%arg11 : memref<128x128xf32, #tpu.memory_space<vmem>>) offsets(%arg7 : memref<128xi32, #tpu.memory_space<vmem>>) semaphore(%arg14 : memref<!tpu.dma_semaphore, #tpu.memory_space<semaphore_mem>>)
      %dma_wait3A_308 = arith.constant 0 : i32
      %dma_wait3A_309 = arith.constant 0 : i32
      %dma_wait3A_310 = tpu.memref_slice %arg2[%dma_wait3A_308, %dma_wait3A_309] : memref<10000x128xf32, #tpu.memory_space<hbm>> -> memref<128x128xf32, #tpu.memory_space<hbm>>
      %dma_wait3A_311 = arith.constant 0 : i32
      %dma_wait3A_312 = arith.constant 0 : i32
      %dma_wait3A_313 = tpu.memref_slice %arg2[%dma_wait3A_311, %dma_wait3A_312] : memref<10000x128xf32, #tpu.memory_space<hbm>> -> memref<128x128xf32, #tpu.memory_space<hbm>>
      tpu.wait_dma2 semaphore(%arg13 : memref<!tpu.dma_semaphore, #tpu.memory_space<semaphore_mem>>) src(%dma_wait3A_313 : memref<128x128xf32, #tpu.memory_space<hbm>>) dst(%arg10 : memref<128x128xf32, #tpu.memory_space<vmem>>)
      %dma_start3A_314 = arith.constant 0 : i32
      %dma_start3A_315 = arith.constant 0 : i32
      %dma_start3A_316 = tpu.memref_slice %arg12[%dma_start3A_314, %dma_start3A_315] : memref<10240x128xf32, #tpu.memory_space<vmem_shared>> -> memref<10240x128xf32, #tpu.memory_space<vmem_shared>>
      tpu.enqueue_indirect_dma source(%arg10 : memref<128x128xf32, #tpu.memory_space<vmem>>) target(%dma_start3A_316 : memref<10240x128xf32, #tpu.memory_space<vmem_shared>>) offsets(%arg8 : memref<128xi32, #tpu.memory_space<vmem>>) semaphore(%arg15 : memref<!tpu.dma_semaphore, #tpu.memory_space<semaphore_mem>>) {add = true}
    }
    %scan3A_36 = arith.constant 40 : i32
    %dma_wait3A = arith.constant 0 : i32
    %dma_wait3A_37 = arith.constant 0 : i32
    %dma_wait3A_38 = tpu.memref_slice %arg2[%dma_wait3A, %dma_wait3A_37] : memref<10000x128xf32, #tpu.memory_space<hbm>> -> memref<128x128xf32, #tpu.memory_space<hbm>>
    %dma_wait3A_39 = arith.constant 0 : i32
    %dma_wait3A_40 = arith.constant 0 : i32
    %dma_wait3A_41 = tpu.memref_slice %arg2[%dma_wait3A_39, %dma_wait3A_40] : memref<10000x128xf32, #tpu.memory_space<hbm>> -> memref<128x128xf32, #tpu.memory_space<hbm>>
    tpu.wait_dma2 semaphore(%arg14 : memref<!tpu.dma_semaphore, #tpu.memory_space<semaphore_mem>>) src(%dma_wait3A_41 : memref<128x128xf32, #tpu.memory_space<hbm>>) dst(%arg11 : memref<128x128xf32, #tpu.memory_space<vmem>>)
    %dma_start3A = arith.constant 0 : i32
    %dma_start3A_42 = arith.constant 0 : i32
    %dma_start3A_43 = tpu.memref_slice %arg12[%dma_start3A, %dma_start3A_42] : memref<10240x128xf32, #tpu.memory_space<vmem_shared>> -> memref<10240x128xf32, #tpu.memory_space<vmem_shared>>
    tpu.enqueue_indirect_dma source(%arg11 : memref<128x128xf32, #tpu.memory_space<vmem>>) target(%dma_start3A_43 : memref<10240x128xf32, #tpu.memory_space<vmem_shared>>) offsets(%arg9 : memref<128xi32, #tpu.memory_space<vmem>>) semaphore(%arg16 : memref<!tpu.dma_semaphore, #tpu.memory_space<semaphore_mem>>) {add = true}
    %dma_wait3A_44 = arith.constant 0 : i32
    %dma_wait3A_45 = arith.constant 0 : i32
    %dma_wait3A_46 = tpu.memref_slice %arg2[%dma_wait3A_44, %dma_wait3A_45] : memref<10000x128xf32, #tpu.memory_space<hbm>> -> memref<128x128xf32, #tpu.memory_space<hbm>>
    %dma_wait3A_47 = arith.constant 0 : i32
    %dma_wait3A_48 = arith.constant 0 : i32
    %dma_wait3A_49 = tpu.memref_slice %arg2[%dma_wait3A_47, %dma_wait3A_48] : memref<10000x128xf32, #tpu.memory_space<hbm>> -> memref<128x128xf32, #tpu.memory_space<hbm>>
    tpu.wait_dma2 semaphore(%arg15 : memref<!tpu.dma_semaphore, #tpu.memory_space<semaphore_mem>>) src(%dma_wait3A_49 : memref<128x128xf32, #tpu.memory_space<hbm>>) dst(%arg10 : memref<128x128xf32, #tpu.memory_space<vmem>>)
    %dma_wait3A_50 = arith.constant 0 : i32
    %dma_wait3A_51 = arith.constant 0 : i32
    %dma_wait3A_52 = tpu.memref_slice %arg2[%dma_wait3A_50, %dma_wait3A_51] : memref<10000x128xf32, #tpu.memory_space<hbm>> -> memref<128x128xf32, #tpu.memory_space<hbm>>
    %dma_wait3A_53 = arith.constant 0 : i32
    %dma_wait3A_54 = arith.constant 0 : i32
    %dma_wait3A_55 = tpu.memref_slice %arg2[%dma_wait3A_53, %dma_wait3A_54] : memref<10000x128xf32, #tpu.memory_space<hbm>> -> memref<128x128xf32, #tpu.memory_space<hbm>>
    tpu.wait_dma2 semaphore(%arg16 : memref<!tpu.dma_semaphore, #tpu.memory_space<semaphore_mem>>) src(%dma_wait3A_55 : memref<128x128xf32, #tpu.memory_space<hbm>>) dst(%arg11 : memref<128x128xf32, #tpu.memory_space<vmem>>)
    %barrier3A_56 = arith.constant 0 : index
    tpu.barrier barrier_id(%barrier3A_56)
    %mul3A_57 = arith.constant 640 : i32
    %mul3A_58 = arith.muli %arg1, %mul3A_57 : i32
    %mul3A_59 = arith.constant 640 : i32
    %mul3A_60 = arith.muli %arg1, %mul3A_59 : i32
    "tpu.region"() ({
      %run_scoped3A = tpu.sem_alloc : memref<!tpu.dma_semaphore, #tpu.memory_space<semaphore_mem>>
      %dma_start3A_61 = arith.constant 0 : i32
      %dma_start3A_62 = tpu.memref_slice %arg4[%arg0, %mul3A_60, %dma_start3A_61] : memref<2x10240x128xf32, #tpu.memory_space<hbm>> -> memref<1x640x128xf32, #tpu.memory_space<hbm>>
      %dma_start3A_63 = tpu.memref_squeeze %dma_start3A_62 : memref<1x640x128xf32, #tpu.memory_space<hbm>> -> memref<640x128xf32, #tpu.memory_space<hbm>>
      %dma_start3A_64 = arith.constant 0 : i32
      %dma_start3A_65 = tpu.memref_slice %arg12[%mul3A_58, %dma_start3A_64] : memref<10240x128xf32, #tpu.memory_space<vmem_shared>> -> memref<640x128xf32, #tpu.memory_space<vmem_shared>>
      tpu.enqueue_dma source(%dma_start3A_65 : memref<640x128xf32, #tpu.memory_space<vmem_shared>>) target(%dma_start3A_63 : memref<640x128xf32, #tpu.memory_space<hbm>>) target_semaphore(%run_scoped3A : memref<!tpu.dma_semaphore, #tpu.memory_space<semaphore_mem>>)
      %dma_wait3A_66 = arith.constant 0 : i32
      %dma_wait3A_67 = tpu.memref_slice %arg4[%arg0, %mul3A_60, %dma_wait3A_66] : memref<2x10240x128xf32, #tpu.memory_space<hbm>> -> memref<1x640x128xf32, #tpu.memory_space<hbm>>
      %dma_wait3A_68 = tpu.memref_squeeze %dma_wait3A_67 : memref<1x640x128xf32, #tpu.memory_space<hbm>> -> memref<640x128xf32, #tpu.memory_space<hbm>>
      %dma_wait3A_69 = arith.constant 0 : i32
      %dma_wait3A_70 = tpu.memref_slice %arg12[%mul3A_58, %dma_wait3A_69] : memref<10240x128xf32, #tpu.memory_space<vmem_shared>> -> memref<640x128xf32, #tpu.memory_space<vmem_shared>>
      tpu.wait_dma2 semaphore(%run_scoped3A : memref<!tpu.dma_semaphore, #tpu.memory_space<semaphore_mem>>) src(%dma_wait3A_70 : memref<640x128xf32, #tpu.memory_space<vmem_shared>>) dst(%dma_wait3A_68 : memref<640x128xf32, #tpu.memory_space<hbm>>)
      tpu.yield
    }) : () -> ()
    return
  }
}

module attributes {stable_mosaic.version = 14 : i64} {
  func.func @body(%arg0: i32, %arg1: memref<2000x128xf32, #tpu.memory_space<vmem>>, %arg2: memref<2000x128xf32, #tpu.memory_space<vmem>>, %arg3: memref<1x2000x128xf32, #tpu.memory_space<vmem>>, %arg4: memref<1x2000x128xf32, #tpu.memory_space<vmem>>, %arg5: memref<2000x32xf32, #tpu.memory_space<vmem>>, %arg6: memref<1x128xf32, #tpu.memory_space<vmem>>, %arg7: memref<2000x128xf32, #tpu.memory_space<vmem>>) attributes {dimension_semantics = [#tpu.dimension_semantics<arbitrary>], iteration_bounds = array<i64: 5>, scalar_prefetch = 0 : i64, scratch_operands = 0 : i64, tpu.core_type = #tpu.core_type<tc>, window_params = [{transform_indices = @transform_0, window_bounds = array<i64: 2000, 128>}, {transform_indices = @transform_1, window_bounds = array<i64: 2000, 128>}, {transform_indices = @transform_2, window_bounds = array<i64: 1, 2000, 128>}, {transform_indices = @transform_3, window_bounds = array<i64: 1, 2000, 128>}, {transform_indices = @transform_4, window_bounds = array<i64: 2000, 32>}, {pipeline_mode = #tpu.pipeline_mode<synchronous>, transform_indices = @transform_5, window_bounds = array<i64: 1, 128>}, {transform_indices = @transform_6, window_bounds = array<i64: 2000, 128>}]} {
    %get3A = arith.constant 0 : index
    %get3A_0 = arith.constant 0 : index
    %get3A_1 = vector.load %arg5[%get3A, %get3A_0] : memref<2000x32xf32, #tpu.memory_space<vmem>>, vector<2000x32xf32>
    %broadcast_in_dim3A = arith.constant 1.000000e+00 : f32
    %broadcast_in_dim3A_2 = vector.broadcast %broadcast_in_dim3A : f32 to vector<32x1xf32>
    %dot_general3A = arith.constant dense<0.000000e+00> : vector<2000x1xf32>
    %dot_general3A_3 = tpu.matmul %get3A_1, %broadcast_in_dim3A_2, %dot_general3A {dimension_numbers = #tpu.dot_dimension_numbers<[1], [0], [0], [1], [0, 0, 1, 1], [], []>, transpose_lhs_hint = false} : vector<2000x32xf32>, vector<32x1xf32>, vector<2000x1xf32> -> vector<2000x1xf32>
    %add3A = arith.constant 1.000000e+00 : f32
    %add3A_4 = vector.broadcast %add3A : f32 to vector<2000x1xf32>
    %add3A_5 = arith.addf %dot_general3A_3, %add3A_4 : vector<2000x1xf32>
    %rsqrt3A = math.rsqrt %add3A_5 : vector<2000x1xf32>
    %get3A_6 = arith.constant 0 : index
    %get3A_7 = arith.constant 0 : index
    %get3A_8 = arith.constant 0 : index
    %get3A_9 = vector.load %arg3[%get3A_6, %get3A_7, %get3A_8] : memref<1x2000x128xf32, #tpu.memory_space<vmem>>, vector<1x2000x128xf32>
    %reshape3A = vector.shape_cast %get3A_9 : vector<1x2000x128xf32> to vector<2000x128xf32>
    %get3A_10 = arith.constant 0 : index
    %get3A_11 = arith.constant 0 : index
    %get3A_12 = arith.constant 0 : index
    %get3A_13 = vector.load %arg4[%get3A_10, %get3A_11, %get3A_12] : memref<1x2000x128xf32, #tpu.memory_space<vmem>>, vector<1x2000x128xf32>
    %reshape3A_14 = vector.shape_cast %get3A_13 : vector<1x2000x128xf32> to vector<2000x128xf32>
    %add3A_15 = arith.addf %reshape3A, %reshape3A_14 : vector<2000x128xf32>
    %get3A_16 = arith.constant 0 : index
    %get3A_17 = arith.constant 0 : index
    %get3A_18 = vector.load %arg2[%get3A_16, %get3A_17] : memref<2000x128xf32, #tpu.memory_space<vmem>>, vector<2000x128xf32>
    %add3A_19 = arith.addf %add3A_15, %get3A_18 : vector<2000x128xf32>
    %mul3A = vector.broadcast %rsqrt3A : vector<2000x1xf32> to vector<2000x128xf32>
    %mul3A_20 = arith.mulf %add3A_19, %mul3A : vector<2000x128xf32>
    %get3A_21 = arith.constant 0 : index
    %get3A_22 = arith.constant 0 : index
    %get3A_23 = vector.load %arg6[%get3A_21, %get3A_22] : memref<1x128xf32, #tpu.memory_space<vmem>>, vector<1x128xf32>
    %add3A_24 = vector.broadcast %get3A_23 : vector<1x128xf32> to vector<2000x128xf32>
    %add3A_25 = arith.addf %mul3A_20, %add3A_24 : vector<2000x128xf32>
    %get3A_26 = arith.constant 0 : index
    %get3A_27 = arith.constant 0 : index
    %get3A_28 = vector.load %arg1[%get3A_26, %get3A_27] : memref<2000x128xf32, #tpu.memory_space<vmem>>, vector<2000x128xf32>
    %max3A = arith.constant 0.000000e+00 : f32
    %max3A_29 = vector.broadcast %max3A : f32 to vector<2000x128xf32>
    %max3A_30 = arith.maximumf %add3A_25, %max3A_29 : vector<2000x128xf32>
    %add3A_31 = arith.addf %get3A_28, %max3A_30 : vector<2000x128xf32>
    %swap3A = arith.constant 0 : index
    %swap3A_32 = arith.constant 0 : index
    %swap3A_33 = vector.load %arg7[%swap3A, %swap3A_32] : memref<2000x128xf32, #tpu.memory_space<vmem>>, vector<2000x128xf32>
    tpu.vector_store %arg7[%swap3A, %swap3A_32], %add3A_31 {strides = array<i32>} : memref<2000x128xf32, #tpu.memory_space<vmem>>, vector<2000x128xf32>,
    return
  }
  func.func @transform_0(%arg0: i32) -> (i32, i32) {
    %c0_i32 = arith.constant 0 : i32
    %c0_i32_0 = arith.constant 0 : i32
    return %arg0, %c0_i32 : i32, i32
  }
  func.func @transform_1(%arg0: i32) -> (i32, i32) {
    %c0_i32 = arith.constant 0 : i32
    %c0_i32_0 = arith.constant 0 : i32
    return %arg0, %c0_i32 : i32, i32
  }
  func.func @transform_2(%arg0: i32) -> (i32, i32, i32) {
    %c0_i32 = arith.constant 0 : i32
    %c0_i32_0 = arith.constant 0 : i32
    %c0_i32_1 = arith.constant 0 : i32
    return %c0_i32, %arg0, %c0_i32_0 : i32, i32, i32
  }
  func.func @transform_3(%arg0: i32) -> (i32, i32, i32) {
    %c1_i32 = arith.constant 1 : i32
    %c0_i32 = arith.constant 0 : i32
    %c0_i32_0 = arith.constant 0 : i32
    return %c1_i32, %arg0, %c0_i32 : i32, i32, i32
  }
  func.func @transform_4(%arg0: i32) -> (i32, i32) {
    %c0_i32 = arith.constant 0 : i32
    %c0_i32_0 = arith.constant 0 : i32
    return %arg0, %c0_i32 : i32, i32
  }
  func.func @transform_5(%arg0: i32) -> (i32, i32) {
    %c0_i32 = arith.constant 0 : i32
    %c0_i32_0 = arith.constant 0 : i32
    %c0_i32_1 = arith.constant 0 : i32
    return %c0_i32, %c0_i32_0 : i32, i32
  }
  func.func @transform_6(%arg0: i32) -> (i32, i32) {
    %c0_i32 = arith.constant 0 : i32
    %c0_i32_0 = arith.constant 0 : i32
    return %arg0, %c0_i32 : i32, i32
  }
}

module attributes {stable_mosaic.version = 14 : i64} {
  func.func @body(%arg0: i32, %arg1: memref<2000x128xf32, #tpu.memory_space<vmem>>, %arg2: memref<128x128xf32, #tpu.memory_space<vmem>>, %arg3: memref<2000x32xf32, #tpu.memory_space<vmem>>, %arg4: memref<2000x128xf32, #tpu.memory_space<vmem>>) attributes {dimension_semantics = [#tpu.dimension_semantics<arbitrary>], iteration_bounds = array<i64: 5>, scalar_prefetch = 0 : i64, scratch_operands = 0 : i64, tpu.core_type = #tpu.core_type<tc>, window_params = [{transform_indices = @transform_0, window_bounds = array<i64: 2000, 128>}, {pipeline_mode = #tpu.pipeline_mode<synchronous>, transform_indices = @transform_1, window_bounds = array<i64: 128, 128>}, {transform_indices = @transform_2, window_bounds = array<i64: 2000, 32>}, {transform_indices = @transform_3, window_bounds = array<i64: 2000, 128>}]} {
    %get3A = arith.constant 0 : index
    %get3A_0 = arith.constant 0 : index
    %get3A_1 = vector.load %arg3[%get3A, %get3A_0] : memref<2000x32xf32, #tpu.memory_space<vmem>>, vector<2000x32xf32>
    %broadcast_in_dim3A = arith.constant 1.000000e+00 : f32
    %broadcast_in_dim3A_2 = vector.broadcast %broadcast_in_dim3A : f32 to vector<32x1xf32>
    %dot_general3A = arith.constant dense<0.000000e+00> : vector<2000x1xf32>
    %dot_general3A_3 = tpu.matmul %get3A_1, %broadcast_in_dim3A_2, %dot_general3A {dimension_numbers = #tpu.dot_dimension_numbers<[1], [0], [0], [1], [0, 0, 1, 1], [], []>, transpose_lhs_hint = false} : vector<2000x32xf32>, vector<32x1xf32>, vector<2000x1xf32> -> vector<2000x1xf32>
    %add3A = arith.constant 1.000000e+00 : f32
    %add3A_4 = vector.broadcast %add3A : f32 to vector<2000x1xf32>
    %add3A_5 = arith.addf %dot_general3A_3, %add3A_4 : vector<2000x1xf32>
    %rsqrt3A = math.rsqrt %add3A_5 : vector<2000x1xf32>
    %get3A_6 = arith.constant 0 : index
    %get3A_7 = arith.constant 0 : index
    %get3A_8 = vector.load %arg1[%get3A_6, %get3A_7] : memref<2000x128xf32, #tpu.memory_space<vmem>>, vector<2000x128xf32>
    %get3A_9 = arith.constant 0 : index
    %get3A_10 = arith.constant 0 : index
    %get3A_11 = vector.load %arg2[%get3A_9, %get3A_10] : memref<128x128xf32, #tpu.memory_space<vmem>>, vector<128x128xf32>
    %dot_general3A_12 = arith.constant dense<0.000000e+00> : vector<2000x128xf32>
    %dot_general3A_13 = tpu.matmul %get3A_8, %get3A_11, %dot_general3A_12 {dimension_numbers = #tpu.dot_dimension_numbers<[1], [0], [0], [1], [0, 0, 1, 1], [], []>, transpose_lhs_hint = false} : vector<2000x128xf32>, vector<128x128xf32>, vector<2000x128xf32> -> vector<2000x128xf32>
    %mul3A = vector.broadcast %rsqrt3A : vector<2000x1xf32> to vector<2000x128xf32>
    %mul3A_14 = arith.mulf %dot_general3A_13, %mul3A : vector<2000x128xf32>
    %swap3A = arith.constant 0 : index
    %swap3A_15 = arith.constant 0 : index
    %swap3A_16 = vector.load %arg4[%swap3A, %swap3A_15] : memref<2000x128xf32, #tpu.memory_space<vmem>>, vector<2000x128xf32>
    tpu.vector_store %arg4[%swap3A, %swap3A_15], %mul3A_14 {strides = array<i32>} : memref<2000x128xf32, #tpu.memory_space<vmem>>, vector<2000x128xf32>,
    return
  }
  func.func @transform_0(%arg0: i32) -> (i32, i32) {
    %c0_i32 = arith.constant 0 : i32
    %c0_i32_0 = arith.constant 0 : i32
    return %arg0, %c0_i32 : i32, i32
  }
  func.func @transform_1(%arg0: i32) -> (i32, i32) {
    %c0_i32 = arith.constant 0 : i32
    %c0_i32_0 = arith.constant 0 : i32
    %c0_i32_1 = arith.constant 0 : i32
    return %c0_i32, %c0_i32_0 : i32, i32
  }
  func.func @transform_2(%arg0: i32) -> (i32, i32) {
    %c0_i32 = arith.constant 0 : i32
    %c0_i32_0 = arith.constant 0 : i32
    return %arg0, %c0_i32 : i32, i32
  }
  func.func @transform_3(%arg0: i32) -> (i32, i32) {
    %c0_i32 = arith.constant 0 : i32
    %c0_i32_0 = arith.constant 0 : i32
    return %arg0, %c0_i32 : i32, i32
  }
}

</mosaic_0001>

<sc_bundles>
// kernel: kernel.10.cloned.1.call-start
scs
__scs_entry_jumppad:
0x0: {  	(pc) =	sbr.rel $0x88, $3  }
0x1: {  	(tag) =	ssettag $0x0;
	lr =	simm.s32 $0x1  }
0x2: {  	[smem:$0x3F9D] =	sst lr;
	_ =	strace $0xD0000000  }
0x3: {  	_ = 	snop  }
0x4: {  	_ = 	snop  }
0x5: {  	_ = 	snop  }
0x6: {  	_ = 	snop  }
0x7: {  	_ = 	snop  }
__scs_overlays_trampoline_lowered:
0x8: {  	[smem:$0x3FAC] =	sst s0  }
0x9: {  	[smem:$0x3FAD] =	sst s1  }
0xa: {  	[smem:$0x3FAE] =	sst s2  }
0xb: {  	[smem:$0x3FAF] =	sst s3  }
0xc: {  	[smem:$0x3FB0] =	sst s4  }
0xd: {  	[smem:$0x3FB1] =	sst s5  }
0xe: {  	[smem:$0x3FB2] =	sst s6  }
0xf: {  	[smem:$0x3FB3] =	sst s7  }
0x10: {  	[smem:$0x3FB4] =	sst s8  }
0x11: {  	[smem:$0x3FB5] =	sst s9;
	s0 =	simm.s32 @!p0 $0x0  }
0x12: {  	s1 =	sld [smem:$0x3F9B];
	s0 =	simm.s32 @p0 $0x1  }
0x13: {  	[smem:$0x3FB6] =	sst s0;
	s0 =	simm.s32 @!p1 $0x0  }
0x14: {  	s2 =	sld [smem:$0x3F9A];
	s0 =	simm.s32 @p1 $0x1  }
0x15: {  	[smem:$0x3FB7] =	sst s0;
	s0 =	simm.s32 @!p2 $0x0  }
0x16: {  	s3 =	sld [smem:$0x3FDB];
	s0 =	simm.s32 @p2 $0x1  }
0x17: {  	s4 =	simm.s32 $0x1BF5;
	[smem:$0x3FB9] =	sst s0  }
0x18: {  	s0 =	sld [smem:$0x3F9C];
	_ =	swait.ge [sflag:s4], $0x0  }
0x19: {  	s7 =	sld [smem:$0x3F9D]  }
0x1a: {  	s8 =	sadd.s32 $0xFFFFE003, lr  }
0x1b: {  	s9 =	sadd.s32 $0xFFFFFEF7, lr;
	s5 =	simm.s32 $0xFFFFFFFF;
	p2 =	slt.u32 s8, $0xFFFFF086  }
0x1c: {  	p1 =	slt.u32 s9, $0xF7A;
	s5 =	simm.s32 @!p2 $0x0  }
0x1d: {  	s5 =	simm.s32 @p1 $0x1;
	p0 =	seq.s32 s7, s2  }
0x1e: {  	s7 =	smul.u32 @!p0 $0xF7A, s2;
	p2 =	seq.s32 @!p0 s5, $0x0  }
0x1f: {  	s9 =	smul.u32 $0xF7A, s1;
	s8 =	simm.s32 @!p0 $0x1BF5;
	p2 =	por !p2, p0  }
0x20: {  	[sflag:s8] =	ssyncset.s32 @!p0 $0xFFFFF086;
	s6 =	sadd.s32 @!p0 s3, s7;
	s7 =	simm.s32 @!p0 $0x108  }
0x21: {  	s3 =	sadd.s32 s3, s9;
	s6 =	sadd.s32 @!p0 $0x88, s6;
	s7 =	simm.s32 @p2 $0x1082  }
0x22: {  	[simem:s7], [sflag:s8] =	dma.local @!p0 [hbm:s6], $0xF7A  }
0x23: {  	s9 =	sor.u32 $0xD0000000, s2;
	s6 =	simm.s32 $0x108;
	_ =	swait.ge @!p0 [sflag:s8], $0x0  }
0x24: {  	s3 =	sadd.s32 $0x88, s3;
	s6 =	simm.s32 @!p1 $0x1082;
	[sflag:s4] =	ssyncset.s32 $0xFFFFF086  }
0x25: {  	[simem:s6], [sflag:s4] =	dma.local [hbm:s3], $0xF7A  }
0x26: {  	[smem:$0x3F9D] =	sst s1;
	(tag) =	ssettag s2;
	_ =	strace s9  }
0x27: {  	s1 =	sld [smem:$0x3FAD]  }
0x28: {  	s2 =	sld [smem:$0x3FAE]  }
0x29: {  	s4 =	sld [smem:$0x3FB0]  }
0x2a: {  	p0 =	seq.s32 s5, $0x0;
	s5 =	sld [smem:$0x3FB1]  }
0x2b: {  	s6 =	sld [smem:$0x3FB2]  }
0x2c: {  	s7 =	sld [smem:$0x3FB3]  }
0x2d: {  	s3 =	simm.s32 $0x108;
	s8 =	sld [smem:$0x3FB4]  }
0x2e: {  	s3 =	simm.s32 @!p0 $0x1082;
	s9 =	sld [smem:$0x3FB5]  }
0x2f: {  	lr =	sadd.s32 s0, s3;
	s0 =	sld [smem:$0x3FAC]  }
0x30: {  	s3 =	sld [smem:$0x3FAF]  }
0x31: {  	[smem:$0x3FB8] =	sst s10  }
0x32: {  	s10 =	sld [smem:$0x3FB6];
	_ =	sdelay $0x3  }
0x33: {  	p0 =	seq.s32 s10, $0x1;
	s10 =	sld [smem:$0x3FB8];
	_ =	sdelay $0x3  }
0x34: {  	[smem:$0x3FB8] =	sst s10  }
0x35: {  	s10 =	sld [smem:$0x3FB7];
	_ =	sdelay $0x3  }
0x36: {  	p1 =	seq.s32 s10, $0x1;
	s10 =	sld [smem:$0x3FB8];
	_ =	sdelay $0x3  }
0x37: {  	[smem:$0x3FB8] =	sst s10  }
0x38: {  	s10 =	sld [smem:$0x3FB9]  }
0x39: {  	_ = 	snop;
	(pc) =	sbr.ind lr, $3  }
0x3a: {  	_ = 	snop  }
0x3b: {  	_ = 	snop  }
0x3c: {  	p2 =	seq.s32 s10, $0x1;
	s10 =	sld [smem:$0x3FB8]  }
0x3d: {  	_ =	shalt  }
0x3e: {  	_ =	shalt  }
0x3f: {  	_ =	shalt  }
0x40: {  	_ =	shalt  }
0x41: {  	_ =	shalt  }
0x42: {  	_ =	shalt  }
0x43: {  	_ =	shalt  }
0x44: {  	_ =	shalt  }
0x45: {  	_ =	shalt  }
0x46: {  	_ =	shalt  }
0x47: {  	_ =	shalt  }
0x48: {  	_ =	shalt  }
0x49: {  	_ =	shalt  }
0x4a: {  	_ =	shalt  }
0x4b: {  	_ =	shalt  }
0x4c: {  	_ =	shalt  }
0x4d: {  	_ =	shalt  }
0x4e: {  	_ =	shalt  }
0x4f: {  	_ =	shalt  }
0x50: {  	_ =	shalt  }
0x51: {  	_ =	shalt  }
0x52: {  	_ =	shalt  }
0x53: {  	_ =	shalt  }
0x54: {  	_ =	shalt  }
0x55: {  	_ =	shalt  }
0x56: {  	_ =	shalt  }
0x57: {  	_ =	shalt  }
0x58: {  	_ =	shalt  }
0x59: {  	_ =	shalt  }
0x5a: {  	_ =	shalt  }
0x5b: {  	_ =	shalt  }
0x5c: {  	_ =	shalt  }
0x5d: {  	_ =	shalt  }
0x5e: {  	_ =	shalt  }
0x5f: {  	_ =	shalt  }
0x60: {  	_ =	shalt  }
0x61: {  	_ =	shalt  }
0x62: {  	_ =	shalt  }
0x63: {  	_ =	shalt  }
0x64: {  	_ =	shalt  }
0x65: {  	_ =	shalt  }
0x66: {  	_ =	shalt  }
0x67: {  	_ =	shalt  }
0x68: {  	_ =	shalt  }
0x69: {  	_ =	shalt  }
0x6a: {  	_ =	shalt  }
0x6b: {  	_ =	shalt  }
0x6c: {  	_ =	shalt  }
0x6d: {  	_ =	shalt  }
0x6e: {  	_ =	shalt  }
0x6f: {  	_ =	shalt  }
0x70: {  	_ =	shalt  }
0x71: {  	_ =	shalt  }
0x72: {  	_ =	shalt  }
0x73: {  	_ =	shalt  }
0x74: {  	_ =	shalt  }
0x75: {  	_ =	shalt  }
0x76: {  	_ =	shalt  }
0x77: {  	_ =	shalt  }
0x78: {  	_ =	shalt  }
0x79: {  	_ =	shalt  }
0x7a: {  	_ =	shalt  }
0x7b: {  	_ =	shalt  }
0x7c: {  	_ =	shalt  }
0x7d: {  	_ =	shalt  }
0x7e: {  	_ =	shalt  }
0x7f: {  	_ =	shalt  }
0x80: {  	_ =	shalt  }
0x81: {  	_ =	shalt  }
0x82: {  	_ =	shalt  }
0x83: {  	_ =	shalt  }
0x84: {  	_ =	shalt  }
0x85: {  	_ =	shalt  }
0x86: {  	_ =	shalt  }
0x87: {  	_ =	shalt  }
.Lfunc_end0:
.L_simem_size_0:
called_computation.1_lowered:
.L_overlay_start_0:
0x88: {  	s2 =	sld [smem:$0x3FD9]  }
0x89: {  	s3 =	sld [smem:$0x3FFE];
	_ =	sdelay $0x1  }
0x8a: {  	s1 =	srdreg.scid  }
0x8b: {  	s0 =	sand.u32 $0x1, s1  }
0x8c: {  	s17 =	sshll.u32 s0, $0xA;
	s2 =	sadd.s32 s3, s2  }
0x8d: {  	s2 =	sadd.s32 s2, s17  }
0x8e: {  	[smem:$0x3FC4] =	sst s2  }
0x8f: {  	_ = 	snop  }
0x90: {  	s18 =	sld [smem:$0x3FC8];
	(tm) =	ssettm $0x1  }
0x91: {  	s19 =	sld [smem:$0x3FFB];
	_ =	sdelay $0x3  }
0x92: {  	_ =	strace s19  }
0x93: {  	s2 =	sld [smem:$0x3FFC];
	_ =	sdelay $0x3  }
0x94: {  	_ =	strace s2  }
0x95: {  	s2 =	sld [smem:$0x3FFD];
	_ =	sdelay $0x3  }
0x96: {  	_ =	strace s2  }
0x97: {  	_ =	strace $0x8FFFFFFF  }
0x98: {  	s20 =	sld [smem:$0x3FDB];
	_ =	sdelay $0x1  }
0x99: {  	s4 =	simm.s32 $_scs_section_size  }
0x9a: {  	s5 =	simm.s32 $_size__tile_overlayer_lowered;
	s6 =	simm.s32 $_tile_overlayer_lowered  }
0x9b: {  	s7 =	simm.s32 $0x1BFF;
	s21 =	sshll.u32 s6, $0x1;
	s4 =	sadd.s32 s4, s20  }
0x9c: {  	s22 =	simm.s32 $0x0;
	s5 =	sshll.u32 s5, $0x1;
	s6 =	sadd.s32 s21, s4  }
0x9d: {  	[timem:s22], [sflag:s7] =	dma.local [hbm:s6], s5  }
0x9e: {  	_ =	swait.ge [sflag:s7], s5  }
0x9f: {  	s5 =	ssub.s32 $0x0, s5;
	[sflag:s7] =	ssyncset.done $0x0  }
0xa0: {  	[sflag:s7] =	ssyncadd.s32 s5;
	_ =	sdelay $0x1  }
0xa1: {  	s23 =	simm.s32 $0x1B8B  }
0xa2: {  	_ =	swait.ge [sflag:s23], $0x1  }
0xa3: {  	[sflag:s23] =	ssyncset.done $0x0  }
0xa4: {  	[sflag:s23] =	ssyncadd.s32 $0xFFFFFFFF  }
0xa5: {  	s5 =	sld [smem:$0x0]  }
0xa6: {  	s6 =	sand.u32 $0xFFFFFFFE, s1  }
0xa7: {  	p0 =	sne.s32 s1, s6  }
0xa8: {  	s6 =	sshll.u32 @p0 s6, $0xE  }
0xa9: {  	s6 =	sadd.s32 @p0 $0x11B8D, s6;
	s7 =	sshll.u32 @p0 s5, $0x11  }
0xaa: {  	s6 =	sor.u32 @p0 s7, s6  }
0xab: {  	[sflag:s6] =	ssyncadd.remote.s32 @p0 $0x1;
	_ =	sdelay $0x1  }
0xac: {  	s6 =	simm.s32 @p0 $0x1B8D  }
0xad: {  	_ =	swait.eq @p0 [sflag:s6], $0x1  }
0xae: {  	[sflag:s6] =	ssyncadd.s32 @p0 $0xFFFFFFFF  }
0xaf: {  	s7 =	sshll.u32 @!p0 s1, $0xE  }
0xb0: {  	s7 =	sor.u32 @!p0 $0x4000, s7;
	s6 =	simm.s32 @!p0 $0x1B8D  }
0xb1: {  	s5 =	sshll.u32 @!p0 s5, $0x11;
	s7 =	sadd.s32 @!p0 $0x11B8D, s7;
	_ =	swait.eq @!p0 [sflag:s6], $0x1  }
0xb2: {  	s5 =	sor.u32 @!p0 s5, s7;
	[sflag:s6] =	ssyncadd.s32 @!p0 $0xFFFFFFFF  }
0xb3: {  	s25 =	simm.s32 $0x1B8E;
	s24 =	sld [smem:$0x3FFE];
	[sflag:s5] =	ssyncadd.remote.s32 @!p0 $0x1  }
0xb4: {  	s26 =	simm.s32 $execute0_lowered;
	[smem:$0x3FD2] =	sst s25  }
0xb5: {  	s6 =	sshll.u32 s26, $0x1;
	_ =	strace $0x80000049;
	[dreg:$0x1] =	wrdreg $0xFFFFFFFF  }
0xb6: {  	s28 =	simm.s32 $_size_execute0_lowered;
	s4 =	sadd.s32 s4, s6;
	[dreg:$0x0] =	wrdreg $0x0  }
0xb7: {  	s6 =	sshll.u32 s28, $0x1;
	[dreg:$0x2] =	wrdreg s4  }
0xb8: {  	[dreg:$0x3] =	wrdreg s6  }
0xb9: {  	[dreg:$0x4] =	wrdreg $0xC0  }
0xba: {  	_ =	task [dreg:s22], $0x5FFFF  }
0xbb: {  	[dreg:$0x1] =	wrdreg $0xFFFFFFFF  }
0xbc: {  	[dreg:$0x0] =	wrdreg $0x60  }
0xbd: {  	[dreg:$0x2] =	wrdreg s18  }
0xbe: {  	[dreg:$0x3] =	wrdreg s24  }
0xbf: {  	[dreg:$0x4] =	wrdreg $0xA  }
0xc0: {  	_ =	task.clear_ibuf [dreg:s22], $0x5FFFF;
	_ =	strace $0x90000049  }
0xc1: {  	s29 =	simm.s32 $0xA;
	_ =	strace $0x8000004B  }
0xc2: {  	_ =	swait.ge [sflag:s29], $0x1  }
0xc3: {  	[sflag:s29] =	ssyncadd.s32 $0xFFFFFFFF  }
0xc4: {  	_ =	strace $0x9000004B  }
0xc5: {  	_ =	sfence  }
0xc6: {  	s30 =	sld [smem:$0x0];
	_ =	sdelay $0x2  }
0xc7: {  	s31 =	sshll.u32 s1, $0xD;
	s1 =	sshrl.u32 s1, $0x2  }
0xc8: {  	s4 =	sand.u32 $0x4000, s31;
	s1 =	sadd.s32 s1, s30  }
0xc9: {  	s0 =	sor.u32 s4, s0;
	s1 =	sshll.u32 s1, $0x11  }
0xca: {  	s0 =	sor.u32 s1, s0  }
0xcb: {  	s0 =	sadd.s32 $0x8F2B, s0  }
0xcc: {  	[sflag:s0] =	ssyncadd.remote.s32 $0x1  }
0xcd: {  	_ =	sfence.sel $0xFFFF  }
0xce: {  	[dreg:$0x0] =	wrdreg $0xFFFFFFFF;
	(pc) =	sbr.abs _section_cstart, $3  }
0xcf: {  	[dreg:$0x1] =	wrdreg $0xFFFFFFFF  }
0xd0: {  	_ =	task.clear_ibuf [dreg:s22], $0x2FFFF;
	_ =	strace $0x9FFFFFFF  }
0xd1: {  	(tm) =	ssettm $0x7FFFFFFF  }
tec
execute0_lowered:
.L_overlay_start_1:
0x0: {  	(tag) =	ssettag $0x1  }
0x1: {  	s7 =	rddreg [dreg:$0x0]  }
0x2: {  	s0 =	srdreg.scid;
	s5 =	rddreg [dreg:$0x1]  }
0x3: {  	s1 =	stileid.u32;
	s2 =	simm.s32 $0x0;
	s12 =	simm.s32 $0x1  }
0x4: {  	s13 =	simm.s32 $0x2800;
	s14 =	simm.s32 $0x5A00;
	s3 =	sand.u32 $0x1, s0  }
0x5: {  	s15 =	simm.s32 $0x5000;
	s0 =	rddreg [dreg:$0x2];
	s4 =	sshll.u32 s3, $0x4  }
0x6: {  	s16 =	simm.s32 $0x0;
	[smem:$0x7FF] =	sst s2;
	s10 =	sor.u32 s1, s4  }
0x7: {  	_ =	strace $0x8000004A;
	s8 =	ssub.s32 $0x2, s3;
	s4 =	smul.u32 $0xA00, s10  }
.Ltmp0:
0x8: {  	s3 =	sadd.s32 $0x1E00, s5;
	s9 =	sshrl.u32 s8, $0x1;
	(pc) =	sbr.rel .LBB2_1-.Ltmp0, $4  }
0x9: {  	s6 =	smul.u32 $0x500, s10;
	s9 =	ssub.s32 s8, s9;
	p0 =	seq.s32 s10, $0x1F  }
0xa: {  	s10 =	simm.s32 $0x80;
	s9 =	smax.u32 s9, $0x1;
	s4 =	sadd.s32 s7, s4  }
0xb: {  	s11 =	sadd.s32 s6, s5;
	s6 =	sadd.s32 $0x13600, s7;
	s7 =	sadd.s32 $0x13610, s7  }
0xc: {  	s5 =	sadd.s32 $0x10, s4;
	s8 =	sadd.s32 $0x2200, s11;
	s11 =	simm.s32 $0x100  }
.LBB2_7:
0xd: {  	v11 =	vld [tilespmem:s18+$0x2870];
	[tilespmem:s17+$0x5010] =	vst v10;
	v7 =	vor.u32 v7, v8  }
0xe: {  	v5 =	vor.u32 v5, v6;
	v50 =	vld [tilespmem:s18+$0x70];
	[tilespmem:s17+$0x5020] =	vst v7  }
0xf: {  	v2 =	vor.u32 v2, v4;
	v51 =	vld [tilespmem:s18+$0x2800];
	[tilespmem:s17+$0x5030] =	vst v5  }
0x10: {  	v1 =	vor.u32 v3, v1;
	v52 =	vld [tilespmem:s18+$0x2810];
	[tilespmem:s17+$0x5040] =	vst v2  }
0x11: {  	v0 =	vor.u32 v9, v0;
	v2 =	vld [tilespmem:s18+$0x2820];
	[tilespmem:s17+$0x5050] =	vst v1  }
0x12: {  	v1 =	vld [tilespmem:s18+$0x2830];
	[tilespmem:s17+$0x5060] =	vst v0  }
0x13: {  	v54 =	vld [tilespmem:s18+$0x2840]  }
0x14: {  	v5 =	vld [tilespmem:s18+$0x2850]  }
0x15: {  	v55 =	vld [tilespmem:s18+$0x2860]  }
0x16: {  	v7 =	vld [tilespmem:s18+$0x0]  }
0x17: {  	v56 =	vld [tilespmem:s18+$0x10]  }
0x18: {  	v57 =	vld [tilespmem:s18+$0x20]  }
0x19: {  	v53 =	vshll.u32 v11, $0xE;
	v10 =	vld [tilespmem:s18+$0x30]  }
0x1a: {  	v0 =	vor.u32 v50, v53;
	v58 =	vld [tilespmem:s18+$0x40];
	v6 =	vshll.u32 v51, $0xE  }
0x1b: {  	v59 =	vld [tilespmem:s18+$0x50];
	[tilespmem:s18+$0x5070] =	vst v0;
	v4 =	vshll.u32 v52, $0xE;
	v6 =	vor.u32 v7, v6  }
0x1c: {  	v60 =	vld [tilespmem:s18+$0x60];
	v2 =	vshll.u32 v2, $0xE;
	v4 =	vor.u32 v56, v4;
	[tilespmem:s18+$0x5000] =	vst v6  }
0x1d: {  	v1 =	vshll.u32 v1, $0xE;
	v2 =	vor.u32 v57, v2;
	[tilespmem:s18+$0x5010] =	vst v4  }
0x1e: {  	v3 =	vshll.u32 v54, $0xE;
	v1 =	vor.u32 v10, v1;
	[tilespmem:s18+$0x5020] =	vst v2  }
0x1f: {  	v61 =	vshll.u32 v5, $0xE;
	[tilespmem:s18+$0x5030] =	vst v1;
	v62 =	vor.u32 v58, v3  }
0x20: {  	v0 =	vshll.u32 v55, $0xE;
	v63 =	vor.u32 v59, v61;
	[tilespmem:s18+$0x5040] =	vst v62  }
0x21: {  	v0 =	vor.u32 v60, v0;
	[tilespmem:s18+$0x5050] =	vst v63  }
0x22: {  	[tilespmem:s18+$0x5060] =	vst v0  }
0x23: {  	[tilespmem:s14], [sflag:$0x1] =	stream.linear.gather [hbm4b:s3+s2], $0x1E00, $0x38;
	[tilespmem:$0x7800] =	vst v63  }
0x24: {  	_ =	swait.ge [sflag:s12], $0x1E00  }
0x25: {  	[sflag:s12] =	ssyncset.done $0x0  }
0x26: {  	[sflag:s12] =	ssyncadd.s32 $0xFFFFE200  }
.LBB2_8:
0x27: {  	s16 =	sadd.s32 $0x1, s16  }
0x28: {  	p1 =	sne.s32 s16, s9  }
.Ltmp1:
0x29: {  	_ = 	snop;
	(pc) =	sbr.rel @!p1 .LBB2_9-.Ltmp1, $4  }
0x2a: {  	[hbm4b:s8+s2] =	stream.linear.scatter [tilespmem:s15], [sflag:$0x1], $0x2800, $0x38;
	[tilespmem:$0x7800] =	vst v63  }
0x2b: {  	_ =	swait.ge [sflag:s12], $0x2800  }
0x2c: {  	[sflag:s12] =	ssyncset.done $0x0  }
0x2d: {  	[sflag:s12] =	ssyncadd.s32 $0xFFFFD800  }
.LBB2_1:
.Ltmp2:
0x2e: {  	(pc) =	sbr.rel @!p0 .LBB2_2-.Ltmp2, $2  }
0x2f: {  	_ =	sdelay $0x2  }
0x30: {  	s17 =	simm.s32 $0x0  }
0x31: {  	[tilespmem:s17], [sflag:$0x1] =	stream.strided.gather [hbm4b:s6+s10], $0xA00, s11, s10, $0x38;
	[tilespmem:$0x7800] =	vst v63  }
0x32: {  	_ =	swait.ge [sflag:s12], $0xA00  }
0x33: {  	[sflag:s12] =	ssyncset.done $0x0  }
0x34: {  	[sflag:s12] =	ssyncadd.s32 $0xFFFFF600  }
0x35: {  	[tilespmem:s13], [sflag:$0x1] =	stream.strided.gather [hbm4b:s7+s10], $0xA00, s11, s10, $0x38;
	[tilespmem:$0x7800] =	vst v63  }
0x36: {  	_ =	swait.ge [sflag:s12], $0xA00  }
0x37: {  	[sflag:s12] =	ssyncset.done $0x0  }
0x38: {  	s17 =	simm.s32 $0x0;
	[sflag:s12] =	ssyncadd.s32 $0xFFFFF600  }
0x39: {  	v0 =	vld [tilespmem:s17+$0x2870]  }
0x3a: {  	v1 =	vld [tilespmem:s17+$0x70]  }
0x3b: {  	v2 =	vld [tilespmem:s17+$0x2800]  }
0x3c: {  	v3 =	vld [tilespmem:s17+$0x2810]  }
0x3d: {  	v4 =	vld [tilespmem:s17+$0x2820]  }
0x3e: {  	v6 =	vld [tilespmem:s17+$0x2830]  }
0x3f: {  	v9 =	vld [tilespmem:s17+$0x2840]  }
0x40: {  	v8 =	vld [tilespmem:s17+$0x0]  }
0x41: {  	v10 =	vld [tilespmem:s17+$0x10];
	v0 =	vshll.u32 v0, $0xE  }
0x42: {  	v0 =	vor.u32 v1, v0;
	v1 =	vld [tilespmem:s17+$0x2850]  }
0x43: {  	[tilespmem:s17+$0x5070] =	vst v0;
	v0 =	vld [tilespmem:s17+$0x2860]  }
0x44: {  	v7 =	vld [tilespmem:s17+$0x20]  }
0x45: {  	v5 =	vld [tilespmem:s17+$0x30]  }
0x46: {  	v11 =	vshll.u32 v2, $0xE;
	v2 =	vld [tilespmem:s17+$0x40];
	v12 =	vshll.u32 v3, $0xE;
	v6 =	vshll.u32 v6, $0xE  }
0x47: {  	v3 =	vld [tilespmem:s17+$0x50];
	v11 =	vor.u32 v8, v11;
	v8 =	vshll.u32 v4, $0xE;
	v4 =	vshll.u32 v9, $0xE  }
0x48: {  	s18 =	simm.s32 $0x80;
	s19 =	simm.s32 $0x400;
	v10 =	vor.u32 v10, v12;
	v9 =	vld [tilespmem:s17+$0x60];
	[tilespmem:s17+$0x5000] =	vst v11;
	v1 =	vshll.u32 v1, $0xE;
	v0 =	vshll.u32 v0, $0xE  }
.LBB2_6:
0x49: {  	p1 =	sne.s32 s19, $0x2600;
	v11 =	vld [tilespmem:s18+$0x2870];
	[tilespmem:s17+$0x5010] =	vst v10;
	v7 =	vor.u32 v7, v8  }
0x4a: {  	v5 =	vor.u32 v5, v6;
	v8 =	vld [tilespmem:s18+$0x70];
	[tilespmem:s17+$0x5020] =	vst v7  }
0x4b: {  	v2 =	vor.u32 v2, v4;
	v6 =	vld [tilespmem:s18+$0x2800];
	[tilespmem:s17+$0x5030] =	vst v5  }
0x4c: {  	v1 =	vor.u32 v3, v1;
	v4 =	vld [tilespmem:s18+$0x2810];
	[tilespmem:s17+$0x5040] =	vst v2  }
0x4d: {  	v0 =	vor.u32 v9, v0;
	v2 =	vld [tilespmem:s18+$0x2820];
	[tilespmem:s17+$0x5050] =	vst v1  }
0x4e: {  	v1 =	vld [tilespmem:s18+$0x2830];
	v3 =	vshll.u32 v11, $0xE;
	[tilespmem:s17+$0x5060] =	vst v0;
	s17 =	smov.u32 s18  }
0x4f: {  	v0 =	vld [tilespmem:s17+$0x2840];
	v3 =	vor.u32 v8, v3  }
0x50: {  	v9 =	vshll.u32 v6, $0xE;
	v10 =	vld [tilespmem:s17+$0x2850];
	[tilespmem:s17+$0x5070] =	vst v3  }
0x51: {  	v11 =	vshll.u32 v4, $0xE;
	v3 =	vld [tilespmem:s17+$0x2860]  }
0x52: {  	v12 =	vld [tilespmem:s17+$0x0];
	v8 =	vshll.u32 v2, $0xE  }
0x53: {  	v13 =	vld [tilespmem:s17+$0x10];
	v6 =	vshll.u32 v1, $0xE  }
.Ltmp3:
0x54: {  	v7 =	vld [tilespmem:s17+$0x20];
	v4 =	vshll.u32 v0, $0xE;
	(pc) =	sbr.rel @p1 .LBB2_6-.Ltmp3, $4  }
0x55: {  	v5 =	vld [tilespmem:s17+$0x30];
	v1 =	vshll.u32 v10, $0xE  }
0x56: {  	v2 =	vld [tilespmem:s17+$0x40];
	v0 =	vshll.u32 v3, $0xE  }
0x57: {  	v9 =	vor.u32 v12, v9;
	v3 =	vld [tilespmem:s17+$0x50]  }
0x58: {  	s18 =	sshra.s32 s19, $0x2;
	s19 =	sadd.s32 $0x200, s19;
	[tilespmem:s17+$0x5000] =	vst v9;
	v10 =	vor.u32 v13, v11;
	v9 =	vld [tilespmem:s17+$0x60]  }
.Ltmp4:
0x59: {  	_ = 	snop;
	(pc) =	sbr.rel .LBB2_7-.Ltmp4, $1  }
0x5a: {  	_ =	sdelay $0x3  }
.LBB2_2:
0x5b: {  	[tilespmem:s17], [sflag:$0x1] =	stream.strided.gather [hbm4b:s4+s10], $0x2800, s11, s10, $0x38;
	[tilespmem:$0x7800] =	vst v63  }
0x5c: {  	_ =	swait.ge [sflag:s12], $0x2800  }
0x5d: {  	[sflag:s12] =	ssyncset.done $0x0  }
0x5e: {  	[sflag:s12] =	ssyncadd.s32 $0xFFFFD800  }
0x5f: {  	[tilespmem:s13], [sflag:$0x1] =	stream.strided.gather [hbm4b:s5+s10], $0x2800, s11, s10, $0x38;
	[tilespmem:$0x7800] =	vst v63  }
0x60: {  	_ =	swait.ge [sflag:s12], $0x2800  }
0x61: {  	[sflag:s12] =	ssyncset.done $0x0  }
0x62: {  	s17 =	simm.s32 $0x0;
	[sflag:s12] =	ssyncadd.s32 $0xFFFFD800  }
0x63: {  	v0 =	vld [tilespmem:s17+$0x2870]  }
0x64: {  	v1 =	vld [tilespmem:s17+$0x70]  }
0x65: {  	v2 =	vld [tilespmem:s17+$0x2800]  }
0x66: {  	v3 =	vld [tilespmem:s17+$0x2810]  }
0x67: {  	v4 =	vld [tilespmem:s17+$0x2820]  }
0x68: {  	v6 =	vld [tilespmem:s17+$0x2830]  }
0x69: {  	v9 =	vld [tilespmem:s17+$0x2840]  }
0x6a: {  	v8 =	vld [tilespmem:s17+$0x0]  }
0x6b: {  	v10 =	vld [tilespmem:s17+$0x10];
	v0 =	vshll.u32 v0, $0xE  }
0x6c: {  	v0 =	vor.u32 v1, v0;
	v1 =	vld [tilespmem:s17+$0x2850]  }
0x6d: {  	[tilespmem:s17+$0x5070] =	vst v0;
	v0 =	vld [tilespmem:s17+$0x2860]  }
0x6e: {  	v7 =	vld [tilespmem:s17+$0x20]  }
0x6f: {  	v5 =	vld [tilespmem:s17+$0x30]  }
0x70: {  	v11 =	vshll.u32 v2, $0xE;
	v2 =	vld [tilespmem:s17+$0x40];
	v12 =	vshll.u32 v3, $0xE;
	v6 =	vshll.u32 v6, $0xE  }
0x71: {  	v3 =	vld [tilespmem:s17+$0x50];
	v11 =	vor.u32 v8, v11;
	v8 =	vshll.u32 v4, $0xE;
	v4 =	vshll.u32 v9, $0xE  }
0x72: {  	s18 =	simm.s32 $0x80;
	s19 =	simm.s32 $0x400;
	v10 =	vor.u32 v10, v12;
	v9 =	vld [tilespmem:s17+$0x60];
	[tilespmem:s17+$0x5000] =	vst v11;
	v1 =	vshll.u32 v1, $0xE;
	v0 =	vshll.u32 v0, $0xE  }
.LBB2_3:
0x73: {  	p1 =	seq.s32 s19, $0x9E00;
	v11 =	vld [tilespmem:s18+$0x2870];
	[tilespmem:s17+$0x5010] =	vst v10;
	v7 =	vor.u32 v7, v8  }
0x74: {  	v8 =	vld [tilespmem:s18+$0x70];
	[tilespmem:s17+$0x5020] =	vst v7;
	v5 =	vor.u32 v5, v6  }
0x75: {  	v6 =	vld [tilespmem:s18+$0x2800];
	[tilespmem:s17+$0x5030] =	vst v5;
	v2 =	vor.u32 v2, v4  }
0x76: {  	v4 =	vld [tilespmem:s18+$0x2810];
	[tilespmem:s17+$0x5040] =	vst v2;
	v1 =	vor.u32 v3, v1  }
0x77: {  	v2 =	vld [tilespmem:s18+$0x2820];
	[tilespmem:s17+$0x5050] =	vst v1;
	v0 =	vor.u32 v9, v0  }
0x78: {  	v1 =	vld [tilespmem:s18+$0x2830];
	v3 =	vshll.u32 v11, $0xE;
	[tilespmem:s17+$0x5060] =	vst v0;
	s17 =	smov.u32 s18  }
0x79: {  	v0 =	vld [tilespmem:s17+$0x2840];
	v3 =	vor.u32 v8, v3  }
0x7a: {  	v9 =	vshll.u32 v6, $0xE;
	v10 =	vld [tilespmem:s17+$0x2850];
	[tilespmem:s17+$0x5070] =	vst v3  }
0x7b: {  	v11 =	vshll.u32 v4, $0xE;
	v3 =	vld [tilespmem:s17+$0x2860]  }
0x7c: {  	v12 =	vld [tilespmem:s17+$0x0];
	v8 =	vshll.u32 v2, $0xE  }
0x7d: {  	v13 =	vld [tilespmem:s17+$0x10];
	v6 =	vshll.u32 v1, $0xE  }
.Ltmp5:
0x7e: {  	v7 =	vld [tilespmem:s17+$0x20];
	v4 =	vshll.u32 v0, $0xE;
	(pc) =	sbr.rel @!p1 .LBB2_3-.Ltmp5, $4  }
0x7f: {  	v5 =	vld [tilespmem:s17+$0x30];
	v1 =	vshll.u32 v10, $0xE  }
0x80: {  	v2 =	vld [tilespmem:s17+$0x40];
	v0 =	vshll.u32 v3, $0xE  }
0x81: {  	v9 =	vor.u32 v12, v9;
	v3 =	vld [tilespmem:s17+$0x50]  }
0x82: {  	s18 =	sshra.s32 s19, $0x2;
	s19 =	sadd.s32 $0x200, s19;
	[tilespmem:s17+$0x5000] =	vst v9;
	v10 =	vor.u32 v13, v11;
	v9 =	vld [tilespmem:s17+$0x60]  }
0x83: {  	v11 =	vld [tilespmem:s18+$0x2870];
	[tilespmem:s17+$0x5010] =	vst v10;
	v7 =	vor.u32 v7, v8  }
0x84: {  	v50 =	vld [tilespmem:s18+$0x70];
	[tilespmem:s17+$0x5020] =	vst v7;
	v5 =	vor.u32 v5, v6  }
0x85: {  	v51 =	vld [tilespmem:s18+$0x2800];
	[tilespmem:s17+$0x5030] =	vst v5;
	v2 =	vor.u32 v2, v4  }
0x86: {  	v52 =	vld [tilespmem:s18+$0x2810];
	[tilespmem:s17+$0x5040] =	vst v2;
	v1 =	vor.u32 v3, v1  }
0x87: {  	v2 =	vld [tilespmem:s18+$0x2820];
	[tilespmem:s17+$0x5050] =	vst v1;
	v0 =	vor.u32 v9, v0  }
0x88: {  	v1 =	vld [tilespmem:s18+$0x2830];
	[tilespmem:s17+$0x5060] =	vst v0  }
0x89: {  	v54 =	vld [tilespmem:s18+$0x2840]  }
0x8a: {  	v5 =	vld [tilespmem:s18+$0x2850]  }
0x8b: {  	v55 =	vld [tilespmem:s18+$0x2860]  }
0x8c: {  	v7 =	vld [tilespmem:s18+$0x0]  }
0x8d: {  	v56 =	vld [tilespmem:s18+$0x10]  }
0x8e: {  	v57 =	vld [tilespmem:s18+$0x20]  }
0x8f: {  	v53 =	vshll.u32 v11, $0xE;
	v10 =	vld [tilespmem:s18+$0x30]  }
0x90: {  	v0 =	vor.u32 v50, v53;
	v58 =	vld [tilespmem:s18+$0x40];
	v6 =	vshll.u32 v51, $0xE  }
0x91: {  	v59 =	vld [tilespmem:s18+$0x50];
	[tilespmem:s18+$0x5070] =	vst v0;
	v4 =	vshll.u32 v52, $0xE;
	v6 =	vor.u32 v7, v6  }
0x92: {  	v60 =	vld [tilespmem:s18+$0x60];
	v2 =	vshll.u32 v2, $0xE;
	v4 =	vor.u32 v56, v4;
	[tilespmem:s18+$0x5000] =	vst v6  }
0x93: {  	v1 =	vshll.u32 v1, $0xE;
	v2 =	vor.u32 v57, v2;
	[tilespmem:s18+$0x5010] =	vst v4  }
.Ltmp6:
0x94: {  	v3 =	vshll.u32 v54, $0xE;
	v1 =	vor.u32 v10, v1;
	[tilespmem:s18+$0x5020] =	vst v2;
	(pc) =	sbr.rel .LBB2_8-.Ltmp6, $4  }
0x95: {  	v61 =	vshll.u32 v5, $0xE;
	[tilespmem:s18+$0x5030] =	vst v1;
	v62 =	vor.u32 v58, v3  }
0x96: {  	v0 =	vshll.u32 v55, $0xE;
	v63 =	vor.u32 v59, v61;
	[tilespmem:s18+$0x5040] =	vst v62  }
0x97: {  	v0 =	vor.u32 v60, v0;
	[tilespmem:s18+$0x5050] =	vst v63  }
0x98: {  	[tilespmem:s18+$0x5060] =	vst v0  }
.LBB2_9:
0x99: {  	_ =	sfence.sel $0x180000  }
0x9a: {  	[bflag:$0x0] =	sbarrier.arrive $0xFFFF  }
0x9b: {  	p0 =	sne.s32 s1, $0x0;
	_ =	strace $0x9000004A  }
0x9c: {  	s0 =	sadd.s32 @!p0 $0x100000, s0;
	[bflag:$0x2] =	sbarrier.arrive $0xFFFF  }
0x9d: {  	[sflag:s0] =	ssyncadd.tile.s32 @!p0 $0x1;
	_ =	shalt  }
.Lfunc_end2:
_tile_overlayer_lowered:
.L_overlay_start_2:
0x9e: {  	(tag) =	ssettag $0x2  }
0x9f: {  	s0 =	rddreg [dreg:$0x0];
	s2 =	stileid.u32  }
0xa0: {  	s1 =	rddreg [dreg:$0x1];
	p0 =	sne.s32 s2, $0x0  }
0xa1: {  	s3 =	rddreg [dreg:$0x2];
	[bflag:$0x3] =	sbarrier.arrive $0xFFFF;
	s2 =	simm.s32 @!p0 $0x1C01  }
0xa2: {  	[timem:s3], [sflag:s2] =	dma.local @!p0 [hbm:s0], s1  }
0xa3: {  	s0 =	simm.s32 @!p0 $0x1  }
0xa4: {  	_ =	swait.ge @!p0 [sflag:s0], s1  }
0xa5: {  	s1 =	ssub.s32 @!p0 $0x0, s1;
	[sflag:s0] =	ssyncset.done @!p0 $0x0  }
0xa6: {  	[sflag:s0] =	ssyncadd.s32 @!p0 s1  }
0xa7: {  	[bflag:$0x3] =	sbarrier.arrive $0xFFFF  }
0xa8: {  	_ =	shalt  }

// kernel: kernel.13.cloned.1.call-start
scs
__scs_entry_jumppad:
0x0: {  	(pc) =	sbr.rel $0x88, $3  }
0x1: {  	(tag) =	ssettag $0x0;
	lr =	simm.s32 $0x1  }
0x2: {  	[smem:$0x3F9D] =	sst lr;
	_ =	strace $0xD0000000  }
0x3: {  	_ = 	snop  }
0x4: {  	_ = 	snop  }
0x5: {  	_ = 	snop  }
0x6: {  	_ = 	snop  }
0x7: {  	_ = 	snop  }
__scs_overlays_trampoline_lowered:
0x8: {  	[smem:$0x3FAC] =	sst s0  }
0x9: {  	[smem:$0x3FAD] =	sst s1  }
0xa: {  	[smem:$0x3FAE] =	sst s2  }
0xb: {  	[smem:$0x3FAF] =	sst s3  }
0xc: {  	[smem:$0x3FB0] =	sst s4  }
0xd: {  	[smem:$0x3FB1] =	sst s5  }
0xe: {  	[smem:$0x3FB2] =	sst s6  }
0xf: {  	[smem:$0x3FB3] =	sst s7  }
0x10: {  	[smem:$0x3FB4] =	sst s8  }
0x11: {  	[smem:$0x3FB5] =	sst s9;
	s0 =	simm.s32 @!p0 $0x0  }
0x12: {  	s1 =	sld [smem:$0x3F9B];
	s0 =	simm.s32 @p0 $0x1  }
0x13: {  	[smem:$0x3FB6] =	sst s0;
	s0 =	simm.s32 @!p1 $0x0  }
0x14: {  	s2 =	sld [smem:$0x3F9A];
	s0 =	simm.s32 @p1 $0x1  }
0x15: {  	[smem:$0x3FB7] =	sst s0;
	s0 =	simm.s32 @!p2 $0x0  }
0x16: {  	s3 =	sld [smem:$0x3FDB];
	s0 =	simm.s32 @p2 $0x1  }
0x17: {  	s4 =	simm.s32 $0x1BF5;
	[smem:$0x3FB9] =	sst s0  }
0x18: {  	s0 =	sld [smem:$0x3F9C];
	_ =	swait.ge [sflag:s4], $0x0  }
0x19: {  	s7 =	sld [smem:$0x3F9D]  }
0x1a: {  	s8 =	sadd.s32 $0xFFFFE003, lr  }
0x1b: {  	s9 =	sadd.s32 $0xFFFFFEF7, lr;
	s5 =	simm.s32 $0xFFFFFFFF;
	p2 =	slt.u32 s8, $0xFFFFF086  }
0x1c: {  	p1 =	slt.u32 s9, $0xF7A;
	s5 =	simm.s32 @!p2 $0x0  }
0x1d: {  	s5 =	simm.s32 @p1 $0x1;
	p0 =	seq.s32 s7, s2  }
0x1e: {  	s7 =	smul.u32 @!p0 $0xF7A, s2;
	p2 =	seq.s32 @!p0 s5, $0x0  }
0x1f: {  	s9 =	smul.u32 $0xF7A, s1;
	s8 =	simm.s32 @!p0 $0x1BF5;
	p2 =	por !p2, p0  }
0x20: {  	[sflag:s8] =	ssyncset.s32 @!p0 $0xFFFFF086;
	s6 =	sadd.s32 @!p0 s3, s7;
	s7 =	simm.s32 @!p0 $0x108  }
0x21: {  	s3 =	sadd.s32 s3, s9;
	s6 =	sadd.s32 @!p0 $0x88, s6;
	s7 =	simm.s32 @p2 $0x1082  }
0x22: {  	[simem:s7], [sflag:s8] =	dma.local @!p0 [hbm:s6], $0xF7A  }
0x23: {  	s9 =	sor.u32 $0xD0000000, s2;
	s6 =	simm.s32 $0x108;
	_ =	swait.ge @!p0 [sflag:s8], $0x0  }
0x24: {  	s3 =	sadd.s32 $0x88, s3;
	s6 =	simm.s32 @!p1 $0x1082;
	[sflag:s4] =	ssyncset.s32 $0xFFFFF086  }
0x25: {  	[simem:s6], [sflag:s4] =	dma.local [hbm:s3], $0xF7A  }
0x26: {  	[smem:$0x3F9D] =	sst s1;
	(tag) =	ssettag s2;
	_ =	strace s9  }
0x27: {  	s1 =	sld [smem:$0x3FAD]  }
0x28: {  	s2 =	sld [smem:$0x3FAE]  }
0x29: {  	s4 =	sld [smem:$0x3FB0]  }
0x2a: {  	p0 =	seq.s32 s5, $0x0;
	s5 =	sld [smem:$0x3FB1]  }
0x2b: {  	s6 =	sld [smem:$0x3FB2]  }
0x2c: {  	s7 =	sld [smem:$0x3FB3]  }
0x2d: {  	s3 =	simm.s32 $0x108;
	s8 =	sld [smem:$0x3FB4]  }
0x2e: {  	s3 =	simm.s32 @!p0 $0x1082;
	s9 =	sld [smem:$0x3FB5]  }
0x2f: {  	lr =	sadd.s32 s0, s3;
	s0 =	sld [smem:$0x3FAC]  }
0x30: {  	s3 =	sld [smem:$0x3FAF]  }
0x31: {  	[smem:$0x3FB8] =	sst s10  }
0x32: {  	s10 =	sld [smem:$0x3FB6];
	_ =	sdelay $0x3  }
0x33: {  	p0 =	seq.s32 s10, $0x1;
	s10 =	sld [smem:$0x3FB8];
	_ =	sdelay $0x3  }
0x34: {  	[smem:$0x3FB8] =	sst s10  }
0x35: {  	s10 =	sld [smem:$0x3FB7];
	_ =	sdelay $0x3  }
0x36: {  	p1 =	seq.s32 s10, $0x1;
	s10 =	sld [smem:$0x3FB8];
	_ =	sdelay $0x3  }
0x37: {  	[smem:$0x3FB8] =	sst s10  }
0x38: {  	s10 =	sld [smem:$0x3FB9]  }
0x39: {  	_ = 	snop;
	(pc) =	sbr.ind lr, $3  }
0x3a: {  	_ = 	snop  }
0x3b: {  	_ = 	snop  }
0x3c: {  	p2 =	seq.s32 s10, $0x1;
	s10 =	sld [smem:$0x3FB8]  }
0x3d: {  	_ =	shalt  }
0x3e: {  	_ =	shalt  }
0x3f: {  	_ =	shalt  }
0x40: {  	_ =	shalt  }
0x41: {  	_ =	shalt  }
0x42: {  	_ =	shalt  }
0x43: {  	_ =	shalt  }
0x44: {  	_ =	shalt  }
0x45: {  	_ =	shalt  }
0x46: {  	_ =	shalt  }
0x47: {  	_ =	shalt  }
0x48: {  	_ =	shalt  }
0x49: {  	_ =	shalt  }
0x4a: {  	_ =	shalt  }
0x4b: {  	_ =	shalt  }
0x4c: {  	_ =	shalt  }
0x4d: {  	_ =	shalt  }
0x4e: {  	_ =	shalt  }
0x4f: {  	_ =	shalt  }
0x50: {  	_ =	shalt  }
0x51: {  	_ =	shalt  }
0x52: {  	_ =	shalt  }
0x53: {  	_ =	shalt  }
0x54: {  	_ =	shalt  }
0x55: {  	_ =	shalt  }
0x56: {  	_ =	shalt  }
0x57: {  	_ =	shalt  }
0x58: {  	_ =	shalt  }
0x59: {  	_ =	shalt  }
0x5a: {  	_ =	shalt  }
0x5b: {  	_ =	shalt  }
0x5c: {  	_ =	shalt  }
0x5d: {  	_ =	shalt  }
0x5e: {  	_ =	shalt  }
0x5f: {  	_ =	shalt  }
0x60: {  	_ =	shalt  }
0x61: {  	_ =	shalt  }
0x62: {  	_ =	shalt  }
0x63: {  	_ =	shalt  }
0x64: {  	_ =	shalt  }
0x65: {  	_ =	shalt  }
0x66: {  	_ =	shalt  }
0x67: {  	_ =	shalt  }
0x68: {  	_ =	shalt  }
0x69: {  	_ =	shalt  }
0x6a: {  	_ =	shalt  }
0x6b: {  	_ =	shalt  }
0x6c: {  	_ =	shalt  }
0x6d: {  	_ =	shalt  }
0x6e: {  	_ =	shalt  }
0x6f: {  	_ =	shalt  }
0x70: {  	_ =	shalt  }
0x71: {  	_ =	shalt  }
0x72: {  	_ =	shalt  }
0x73: {  	_ =	shalt  }
0x74: {  	_ =	shalt  }
0x75: {  	_ =	shalt  }
0x76: {  	_ =	shalt  }
0x77: {  	_ =	shalt  }
0x78: {  	_ =	shalt  }
0x79: {  	_ =	shalt  }
0x7a: {  	_ =	shalt  }
0x7b: {  	_ =	shalt  }
0x7c: {  	_ =	shalt  }
0x7d: {  	_ =	shalt  }
0x7e: {  	_ =	shalt  }
0x7f: {  	_ =	shalt  }
0x80: {  	_ =	shalt  }
0x81: {  	_ =	shalt  }
0x82: {  	_ =	shalt  }
0x83: {  	_ =	shalt  }
0x84: {  	_ =	shalt  }
0x85: {  	_ =	shalt  }
0x86: {  	_ =	shalt  }
0x87: {  	_ =	shalt  }
.Lfunc_end0:
.L_simem_size_0:
called_computation.2_lowered:
.L_overlay_start_0:
0x88: {  	s2 =	sld [smem:$0x3FD9]  }
0x89: {  	s3 =	sld [smem:$0x3FFE];
	_ =	sdelay $0x1  }
0x8a: {  	s1 =	srdreg.scid  }
0x8b: {  	s0 =	sand.u32 $0x1, s1  }
0x8c: {  	s17 =	sshll.u32 s0, $0xA;
	s2 =	sadd.s32 s3, s2  }
0x8d: {  	s2 =	sadd.s32 s2, s17  }
0x8e: {  	[smem:$0x3FC4] =	sst s2  }
0x8f: {  	_ = 	snop  }
0x90: {  	s2 =	sld [smem:$0x3FD0];
	(tm) =	ssettm $0x1  }
0x91: {  	s18 =	sld [smem:$0x3FFB];
	_ =	sdelay $0x3  }
0x92: {  	_ =	strace s18  }
0x93: {  	s3 =	sld [smem:$0x3FFC];
	_ =	sdelay $0x3  }
0x94: {  	_ =	strace s3  }
0x95: {  	s3 =	sld [smem:$0x3FFD];
	_ =	sdelay $0x3  }
0x96: {  	_ =	strace s3  }
0x97: {  	_ =	strace $0x8FFFFFFF  }
0x98: {  	s19 =	sld [smem:$0x3FDB];
	_ =	sdelay $0x1  }
0x99: {  	s4 =	simm.s32 $_scs_section_size  }
0x9a: {  	s5 =	simm.s32 $_size__tile_overlayer_lowered;
	s6 =	simm.s32 $_tile_overlayer_lowered  }
0x9b: {  	s22 =	simm.s32 $0x1BFF;
	s21 =	sshll.u32 s6, $0x1;
	s3 =	sadd.s32 s4, s19  }
0x9c: {  	s7 =	simm.s32 $0x0;
	s20 =	sshll.u32 s5, $0x1;
	s5 =	sadd.s32 s21, s3  }
0x9d: {  	[timem:s7], [sflag:s22] =	dma.local [hbm:s5], s20  }
0x9e: {  	_ =	swait.ge [sflag:s22], s20  }
0x9f: {  	s4 =	ssub.s32 $0x0, s20;
	[sflag:s22] =	ssyncset.done $0x0  }
0xa0: {  	[sflag:s22] =	ssyncadd.s32 s4;
	_ =	sdelay $0x1  }
0xa1: {  	s23 =	simm.s32 $0x1B8B  }
0xa2: {  	_ =	swait.ge [sflag:s23], $0x1  }
0xa3: {  	[sflag:s23] =	ssyncset.done $0x0  }
0xa4: {  	s25 =	simm.s32 $0x1B8E;
	s24 =	sld [smem:$0x3FFE];
	[sflag:s23] =	ssyncadd.s32 $0xFFFFFFFF  }
0xa5: {  	s26 =	simm.s32 $execute0_lowered;
	[smem:$0x3FD2] =	sst s25  }
0xa6: {  	s5 =	sshll.u32 s26, $0x1;
	_ =	strace $0x8000004C;
	[dreg:$0x1] =	wrdreg $0xFFFFFFFF  }
0xa7: {  	s28 =	simm.s32 $_size_execute0_lowered;
	s3 =	sadd.s32 s3, s5;
	[dreg:$0x0] =	wrdreg $0x0  }
0xa8: {  	s5 =	sshll.u32 s28, $0x1;
	[dreg:$0x2] =	wrdreg s3  }
0xa9: {  	[dreg:$0x3] =	wrdreg s5  }
0xaa: {  	[dreg:$0x4] =	wrdreg $0xC0  }
0xab: {  	_ =	task [dreg:s7], $0x5FFFF  }
0xac: {  	[dreg:$0x1] =	wrdreg $0xFFFFFFFF  }
0xad: {  	[dreg:$0x0] =	wrdreg $0x60  }
0xae: {  	[dreg:$0x2] =	wrdreg s2  }
0xaf: {  	[dreg:$0x3] =	wrdreg s24  }
0xb0: {  	[dreg:$0x4] =	wrdreg $0xAA000  }
0xb1: {  	[dreg:$0x5] =	wrdreg $0x9  }
0xb2: {  	_ =	task.clear_ibuf [dreg:s7], $0x6FFFF;
	_ =	strace $0x9000004C  }
0xb3: {  	s29 =	simm.s32 $0x9;
	_ =	strace $0x8000004E  }
0xb4: {  	_ =	swait.ge [sflag:s29], $0x1  }
0xb5: {  	[sflag:s29] =	ssyncadd.s32 $0xFFFFFFFF  }
0xb6: {  	_ =	strace $0x9000004E  }
0xb7: {  	_ =	sfence  }
0xb8: {  	s30 =	sld [smem:$0x0];
	_ =	sdelay $0x2  }
0xb9: {  	s31 =	sshll.u32 s1, $0xD;
	s1 =	sshrl.u32 s1, $0x2  }
0xba: {  	s3 =	sand.u32 $0x4000, s31;
	s1 =	sadd.s32 s1, s30  }
0xbb: {  	s0 =	sor.u32 s3, s0;
	s1 =	sshll.u32 s1, $0x11  }
0xbc: {  	s0 =	sor.u32 s1, s0  }
0xbd: {  	s0 =	sadd.s32 $0x8F2B, s0  }
0xbe: {  	[sflag:s0] =	ssyncadd.remote.s32 $0x1  }
0xbf: {  	_ =	sfence.sel $0xFFFF  }
0xc0: {  	[dreg:$0x0] =	wrdreg $0xFFFFFFFF;
	(pc) =	sbr.abs _section_cstart, $3  }
0xc1: {  	[dreg:$0x1] =	wrdreg $0xFFFFFFFF  }
0xc2: {  	_ =	task.clear_ibuf [dreg:s7], $0x2FFFF;
	_ =	strace $0x9FFFFFFF  }
0xc3: {  	(tm) =	ssettm $0x7FFFFFFF  }
tec
execute0_lowered:
.L_overlay_start_1:
0x0: {  	(tag) =	ssettag $0x1  }
0x1: {  	s2 =	rddreg [dreg:$0x0]  }
0x2: {  	s6 =	rddreg [dreg:$0x1]  }
0x3: {  	s0 =	srdreg.scid;
	s3 =	rddreg [dreg:$0x2];
	s4 =	simm.s32 $0x0  }
0x4: {  	s13 =	simm.s32 $0x5;
	s14 =	simm.s32 $0x2A00;
	s15 =	simm.s32 $0x80  }
0x5: {  	s16 =	simm.s32 $0x2800;
	s17 =	simm.s32 $0x2880;
	s18 =	simm.s32 $0x6A00  }
0x6: {  	s19 =	simm.s32 $0x1;
	s20 =	simm.s32 $0x2900;
	s21 =	simm.s32 $0x2  }
0x7: {  	s22 =	simm.s32 $0x2980;
	s23 =	simm.s32 $0x3;
	s5 =	sand.u32 $0x1, s0  }
0x8: {  	s24 =	simm.s32 $0x4;
	s0 =	stileid.u32;
	s8 =	smul.u32 $0x140000, s5  }
0x9: {  	s25 =	simm.s32 $0x0;
	[smem:$0x7FF] =	sst s4;
	s9 =	smul.u32 $0x14000, s0  }
0xa: {  	s1 =	sshll.u32 s5, $0x4;
	s10 =	smul.u32 $0x50000, s0;
	s29 =	ssub.s32 $0x2, s5  }
0xb: {  	_ =	strace $0x8000004D;
	s1 =	sor.u32 s0, s1;
	s31 =	sshrl.u32 s29, $0x1  }
0xc: {  	s7 =	smul.u32 $0x500, s1;
	s8 =	sadd.s32 s9, s8;
	s30 =	sshrl.u32 s10, $0x2  }
0xd: {  	s12 =	ssub.s32 s29, s31;
	s8 =	sshrl.u32 s8, $0x3;
	s5 =	sadd.s32 s30, s3  }
0xe: {  	s12 =	smax.u32 s12, $0x1;
	s7 =	sadd.s32 s7, s6;
	s11 =	sadd.s32 s8, s6  }
0xf: {  	s8 =	sadd.s32 $0x8000, s5;
	s9 =	sadd.s32 $0xC000, s5;
	s10 =	sadd.s32 $0x10000, s5  }
0x10: {  	v0 =	vimm.f32 $0.0e+00;
	s6 =	sadd.s32 $0x2200, s7;
	s7 =	sadd.s32 $0x4000, s5;
	s11 =	sadd.s32 $0xC200, s11  }
.LBB2_1:
0x11: {  	[tilespmem:s4], [sflag:$0x5] =	stream.linear.gather [hbm4b:s6+s4], $0x2800, $0x38;
	[tilespmem:$0x1EA00] =	vst v63  }
0x12: {  	_ =	swait.ge [sflag:s13], $0x2800  }
0x13: {  	[sflag:s13] =	ssyncset.done $0x0  }
0x14: {  	s26 =	simm.s32 $0x0;
	s28 =	simm.s32 $0x200;
	[sflag:s13] =	ssyncadd.s32 $0xFFFFD800  }
.LBB2_2:
0x15: {  	p0 =	sne.s32 s28, $0xFE00;
	[tilespmem:s26+$0x2A70] =	vst v0  }
0x16: {  	[tilespmem:s26+$0x2A00] =	vst v0  }
0x17: {  	[tilespmem:s26+$0x2A10] =	vst v0  }
.Ltmp0:
0x18: {  	[tilespmem:s26+$0x2A20] =	vst v0;
	(pc) =	sbr.rel @p0 .LBB2_2-.Ltmp0, $4  }
0x19: {  	[tilespmem:s26+$0x2A30] =	vst v0  }
0x1a: {  	[tilespmem:s26+$0x2A40] =	vst v0  }
0x1b: {  	[tilespmem:s26+$0x2A50] =	vst v0  }
0x1c: {  	[tilespmem:s26+$0x2A60] =	vst v0;
	s26 =	sshra.s32 s28, $0x2;
	s28 =	sadd.s32 $0x200, s28  }
0x1d: {  	[tilespmem:s26+$0x2A70] =	vst v0  }
0x1e: {  	[tilespmem:s26+$0x2A00] =	vst v0  }
0x1f: {  	[tilespmem:s26+$0x2A10] =	vst v0  }
0x20: {  	[tilespmem:s26+$0x2A20] =	vst v0  }
0x21: {  	[tilespmem:s26+$0x2A30] =	vst v0  }
0x22: {  	[tilespmem:s26+$0x2A40] =	vst v0  }
0x23: {  	[tilespmem:s26+$0x2A50] =	vst v0  }
0x24: {  	[tilespmem:s26+$0x2A60] =	vst v0  }
0x25: {  	[spmem:s5] =	stream.linear.scatter [tilespmem:s14], [sflag:$0x5], $0x4000, $0x38;
	[tilespmem:$0x1EA00] =	vst v63  }
0x26: {  	_ =	swait.ge [sflag:s13], $0x4000  }
0x27: {  	[sflag:s13] =	ssyncset.done $0x0  }
0x28: {  	[sflag:s13] =	ssyncadd.s32 $0xFFFFC000  }
0x29: {  	[spmem:s7] =	stream.linear.scatter [tilespmem:s14], [sflag:$0x5], $0x4000, $0x38;
	[tilespmem:$0x1EA00] =	vst v63  }
0x2a: {  	_ =	swait.ge [sflag:s13], $0x4000  }
0x2b: {  	[sflag:s13] =	ssyncset.done $0x0  }
0x2c: {  	[sflag:s13] =	ssyncadd.s32 $0xFFFFC000  }
0x2d: {  	[spmem:s8] =	stream.linear.scatter [tilespmem:s14], [sflag:$0x5], $0x4000, $0x38;
	[tilespmem:$0x1EA00] =	vst v63  }
0x2e: {  	_ =	swait.ge [sflag:s13], $0x4000  }
0x2f: {  	[sflag:s13] =	ssyncset.done $0x0  }
0x30: {  	[sflag:s13] =	ssyncadd.s32 $0xFFFFC000  }
0x31: {  	[spmem:s9] =	stream.linear.scatter [tilespmem:s14], [sflag:$0x5], $0x4000, $0x38;
	[tilespmem:$0x1EA00] =	vst v63  }
0x32: {  	_ =	swait.ge [sflag:s13], $0x4000  }
0x33: {  	[sflag:s13] =	ssyncset.done $0x0  }
0x34: {  	[sflag:s13] =	ssyncadd.s32 $0xFFFFC000  }
0x35: {  	[spmem:s10] =	stream.linear.scatter [tilespmem:s14], [sflag:$0x5], $0x4000, $0x38;
	[tilespmem:$0x1EA00] =	vst v63  }
0x36: {  	_ =	swait.ge [sflag:s13], $0x4000  }
0x37: {  	[sflag:s13] =	ssyncset.done $0x0  }
0x38: {  	p0 =	por $0x1, $0x1;
	[sflag:s13] =	ssyncadd.s32 $0xFFFFC000  }
0x39: {  	s26 =	simm.s32 @!p0 $0x3;
	[bflag:$0x0] =	sbarrier.arrive $0xFFFF  }
0x3a: {  	_ =	swait.ge @!p0 [sflag:s26], $0x4000  }
0x3b: {  	[sflag:s26] =	ssyncset.done @!p0 $0x0  }
0x3c: {  	[sflag:s26] =	ssyncadd.s32 @!p0 $0xFFFFC000;
	s26 =	simm.s32 $0x0  }
0x3d: {  	v1 =	vld [tilespmem:s26+$0x0];
	_ =	sdelay $0x4  }
0x3e: {  	v2 =	vand.u32 $0x3FFF, v1  }
0x3f: {  	v1 =	vshrl.u32 v1, $0xE;
	[tilespmem:$0x2800] =	vst v2  }
0x40: {  	[tilespmem:$0x2900] =	vst v1  }
0x41: {  	v1 =	vld [tilespmem:s26+$0x10];
	_ =	sdelay $0x4  }
0x42: {  	v2 =	vand.u32 $0x3FFF, v1  }
0x43: {  	v1 =	vshrl.u32 v1, $0xE;
	[tilespmem:$0x2810] =	vst v2  }
0x44: {  	[tilespmem:$0x2910] =	vst v1  }
0x45: {  	v1 =	vld [tilespmem:s26+$0x20];
	_ =	sdelay $0x4  }
0x46: {  	v2 =	vand.u32 $0x3FFF, v1  }
0x47: {  	v1 =	vshrl.u32 v1, $0xE;
	[tilespmem:$0x2820] =	vst v2  }
0x48: {  	[tilespmem:$0x2920] =	vst v1  }
0x49: {  	v1 =	vld [tilespmem:s26+$0x30];
	_ =	sdelay $0x4  }
0x4a: {  	v2 =	vand.u32 $0x3FFF, v1  }
0x4b: {  	v1 =	vshrl.u32 v1, $0xE;
	[tilespmem:$0x2830] =	vst v2  }
0x4c: {  	[tilespmem:$0x2930] =	vst v1  }
0x4d: {  	v1 =	vld [tilespmem:s26+$0x40];
	_ =	sdelay $0x4  }
0x4e: {  	v2 =	vand.u32 $0x3FFF, v1  }
0x4f: {  	v1 =	vshrl.u32 v1, $0xE;
	[tilespmem:$0x2840] =	vst v2  }
0x50: {  	[tilespmem:$0x2940] =	vst v1  }
0x51: {  	v1 =	vld [tilespmem:s26+$0x50];
	_ =	sdelay $0x4  }
0x52: {  	v2 =	vand.u32 $0x3FFF, v1  }
0x53: {  	v1 =	vshrl.u32 v1, $0xE;
	[tilespmem:$0x2850] =	vst v2  }
0x54: {  	[tilespmem:$0x2950] =	vst v1  }
0x55: {  	v1 =	vld [tilespmem:s26+$0x60];
	_ =	sdelay $0x4  }
0x56: {  	v2 =	vand.u32 $0x3FFF, v1  }
0x57: {  	v1 =	vshrl.u32 v1, $0xE;
	[tilespmem:$0x2860] =	vst v2  }
0x58: {  	[tilespmem:$0x2960] =	vst v1  }
0x59: {  	v1 =	vld [tilespmem:s26+$0x70];
	_ =	sdelay $0x4  }
0x5a: {  	v2 =	vand.u32 $0x3FFF, v1  }
0x5b: {  	v1 =	vshrl.u32 v1, $0xE;
	[tilespmem:$0x2870] =	vst v2  }
0x5c: {  	s28 =	simm.s32 @!p0 $0x2;
	[tilespmem:$0x2970] =	vst v1  }
0x5d: {  	[tilespmem:s14], [sflag:$0x1] =	stream.indirect.gather [hbm4b:s2+s15], $0x80, s16, s15, $0xb8;
	[tilespmem:$0x1EA00] =	vst v63  }
0x5e: {  	_ =	swait.ge @!p0 [sflag:s28], $0x4000  }
0x5f: {  	s29 =	simm.s32 @!p0 $0x6A00;
	s30 =	simm.s32 @!p0 $0x4;
	[sflag:s28] =	ssyncset.done @!p0 $0x0  }
0x60: {  	s31 =	simm.s32 @!p0 $0x2980;
	[sflag:s28] =	ssyncadd.s32 @!p0 $0xFFFFC000;
	s28 =	simm.s32 @!p0 $0x80  }
0x61: {  	[spmem:s3] =	stream.indirect.scatter.add.f32 @!p0 [tilespmem:s29], [sflag:$0x4], $0x80, s31, s28, $0xb8;
	[tilespmem:$0x1EA00] =	vst v63  }
0x62: {  	_ =	swait.ge @!p0 [sflag:s30], $0x4000  }
0x63: {  	[sflag:s30] =	ssyncset.done @!p0 $0x0  }
0x64: {  	[sflag:s30] =	ssyncadd.s32 @!p0 $0xFFFFC000  }
0x65: {  	v1 =	vld [tilespmem:s26+$0x80];
	_ =	sdelay $0x4  }
0x66: {  	v2 =	vand.u32 $0x3FFF, v1  }
0x67: {  	v1 =	vshrl.u32 v1, $0xE;
	[tilespmem:$0x2880] =	vst v2  }
0x68: {  	[tilespmem:$0x2980] =	vst v1  }
0x69: {  	v1 =	vld [tilespmem:s26+$0x90];
	_ =	sdelay $0x4  }
0x6a: {  	v2 =	vand.u32 $0x3FFF, v1  }
0x6b: {  	v1 =	vshrl.u32 v1, $0xE;
	[tilespmem:$0x2890] =	vst v2  }
0x6c: {  	[tilespmem:$0x2990] =	vst v1  }
0x6d: {  	v1 =	vld [tilespmem:s26+$0xA0];
	_ =	sdelay $0x4  }
0x6e: {  	v2 =	vand.u32 $0x3FFF, v1  }
0x6f: {  	v1 =	vshrl.u32 v1, $0xE;
	[tilespmem:$0x28A0] =	vst v2  }
0x70: {  	[tilespmem:$0x29A0] =	vst v1  }
0x71: {  	v1 =	vld [tilespmem:s26+$0xB0];
	_ =	sdelay $0x4  }
0x72: {  	v2 =	vand.u32 $0x3FFF, v1  }
0x73: {  	v1 =	vshrl.u32 v1, $0xE;
	[tilespmem:$0x28B0] =	vst v2  }
0x74: {  	[tilespmem:$0x29B0] =	vst v1  }
0x75: {  	v1 =	vld [tilespmem:s26+$0xC0];
	_ =	sdelay $0x4  }
0x76: {  	v2 =	vand.u32 $0x3FFF, v1  }
0x77: {  	v1 =	vshrl.u32 v1, $0xE;
	[tilespmem:$0x28C0] =	vst v2  }
0x78: {  	[tilespmem:$0x29C0] =	vst v1  }
0x79: {  	v1 =	vld [tilespmem:s26+$0xD0];
	_ =	sdelay $0x4  }
0x7a: {  	v2 =	vand.u32 $0x3FFF, v1  }
0x7b: {  	v1 =	vshrl.u32 v1, $0xE;
	[tilespmem:$0x28D0] =	vst v2  }
0x7c: {  	[tilespmem:$0x29D0] =	vst v1  }
0x7d: {  	s28 =	simm.s32 $0x400;
	v1 =	vld [tilespmem:s26+$0xE0]  }
.LBB2_4:
0x7e: {  	_ =	sdelay $0x1  }
0x7f: {  	s29 =	smov.u32 s28;
	s28 =	sadd.s32 $0x400, s28  }
0x80: {  	p0 =	sne.s32 s28, $0xA000  }
0x81: {  	v2 =	vand.u32 $0x3FFF, v1;
	v1 =	vshrl.u32 v1, $0xE  }
0x82: {  	[tilespmem:$0x28E0] =	vst v2  }
0x83: {  	[tilespmem:$0x29E0] =	vst v1  }
0x84: {  	v1 =	vld [tilespmem:s26+$0xF0];
	_ =	sdelay $0x4  }
0x85: {  	v2 =	vand.u32 $0x3FFF, v1;
	v1 =	vshrl.u32 v1, $0xE  }
0x86: {  	[tilespmem:$0x28F0] =	vst v2  }
0x87: {  	[tilespmem:$0x29F0] =	vst v1  }
0x88: {  	[tilespmem:s18], [sflag:$0x2] =	stream.indirect.gather [hbm4b:s2+s15], $0x80, s17, s15, $0xb8;
	[tilespmem:$0x1EA00] =	vst v63  }
0x89: {  	_ =	swait.ge [sflag:s19], $0x4000  }
0x8a: {  	p1 =	seq.s32 s29, $0x0;
	[sflag:s19] =	ssyncset.done $0x0  }
0x8b: {  	s26 =	simm.s32 @!p1 $0x3;
	[sflag:s19] =	ssyncadd.s32 $0xFFFFC000  }
0x8c: {  	[spmem:s3] =	stream.indirect.scatter.add.f32 [tilespmem:s14], [sflag:$0x3], $0x80, s20, s15, $0xb8;
	[tilespmem:$0x1EA00] =	vst v63  }
0x8d: {  	_ =	swait.ge @!p1 [sflag:s26], $0x4000  }
0x8e: {  	[sflag:s26] =	ssyncset.done @!p1 $0x0  }
0x8f: {  	[sflag:s26] =	ssyncadd.s32 @!p1 $0xFFFFC000;
	s26 =	sshra.s32 s29, $0x2  }
0x90: {  	v1 =	vld [tilespmem:s26+$0x0];
	_ =	sdelay $0x4  }
0x91: {  	v2 =	vand.u32 $0x3FFF, v1;
	v1 =	vshrl.u32 v1, $0xE  }
0x92: {  	[tilespmem:$0x2800] =	vst v2  }
0x93: {  	[tilespmem:$0x2900] =	vst v1  }
0x94: {  	v1 =	vld [tilespmem:s26+$0x10];
	_ =	sdelay $0x4  }
0x95: {  	v2 =	vand.u32 $0x3FFF, v1;
	v1 =	vshrl.u32 v1, $0xE  }
0x96: {  	[tilespmem:$0x2810] =	vst v2  }
0x97: {  	[tilespmem:$0x2910] =	vst v1  }
0x98: {  	v1 =	vld [tilespmem:s26+$0x20];
	_ =	sdelay $0x4  }
0x99: {  	v2 =	vand.u32 $0x3FFF, v1;
	v1 =	vshrl.u32 v1, $0xE  }
0x9a: {  	[tilespmem:$0x2820] =	vst v2  }
0x9b: {  	[tilespmem:$0x2920] =	vst v1  }
0x9c: {  	v1 =	vld [tilespmem:s26+$0x30];
	_ =	sdelay $0x4  }
0x9d: {  	v2 =	vand.u32 $0x3FFF, v1;
	v1 =	vshrl.u32 v1, $0xE  }
0x9e: {  	[tilespmem:$0x2830] =	vst v2  }
0x9f: {  	[tilespmem:$0x2930] =	vst v1  }
0xa0: {  	v1 =	vld [tilespmem:s26+$0x40];
	_ =	sdelay $0x4  }
0xa1: {  	v2 =	vand.u32 $0x3FFF, v1;
	v1 =	vshrl.u32 v1, $0xE  }
0xa2: {  	[tilespmem:$0x2840] =	vst v2  }
0xa3: {  	[tilespmem:$0x2940] =	vst v1  }
0xa4: {  	v1 =	vld [tilespmem:s26+$0x50];
	_ =	sdelay $0x4  }
0xa5: {  	v2 =	vand.u32 $0x3FFF, v1;
	v1 =	vshrl.u32 v1, $0xE  }
0xa6: {  	[tilespmem:$0x2850] =	vst v2  }
0xa7: {  	[tilespmem:$0x2950] =	vst v1  }
0xa8: {  	v1 =	vld [tilespmem:s26+$0x60];
	_ =	sdelay $0x4  }
0xa9: {  	v2 =	vand.u32 $0x3FFF, v1;
	v1 =	vshrl.u32 v1, $0xE  }
0xaa: {  	[tilespmem:$0x2860] =	vst v2  }
0xab: {  	[tilespmem:$0x2960] =	vst v1  }
0xac: {  	v1 =	vld [tilespmem:s26+$0x70];
	_ =	sdelay $0x4  }
0xad: {  	v2 =	vand.u32 $0x3FFF, v1;
	v1 =	vshrl.u32 v1, $0xE  }
0xae: {  	[tilespmem:$0x2870] =	vst v2  }
0xaf: {  	s29 =	simm.s32 @!p1 $0x2;
	[tilespmem:$0x2970] =	vst v1  }
0xb0: {  	[tilespmem:s14], [sflag:$0x1] =	stream.indirect.gather [hbm4b:s2+s15], $0x80, s16, s15, $0xb8;
	[tilespmem:$0x1EA00] =	vst v63  }
0xb1: {  	_ =	swait.ge @!p1 [sflag:s29], $0x4000  }
0xb2: {  	s30 =	simm.s32 @!p1 $0x6A00;
	s31 =	simm.s32 @!p1 $0x4;
	[sflag:s29] =	ssyncset.done @!p1 $0x0  }
0xb3: {  	s1 =	simm.s32 @!p1 $0x2980;
	[sflag:s29] =	ssyncadd.s32 @!p1 $0xFFFFC000;
	s29 =	simm.s32 @!p1 $0x80  }
0xb4: {  	[spmem:s3] =	stream.indirect.scatter.add.f32 @!p1 [tilespmem:s30], [sflag:$0x4], $0x80, s1, s29, $0xb8;
	[tilespmem:$0x1EA00] =	vst v63  }
0xb5: {  	_ =	swait.ge @!p1 [sflag:s31], $0x4000  }
0xb6: {  	[sflag:s31] =	ssyncset.done @!p1 $0x0  }
0xb7: {  	[sflag:s31] =	ssyncadd.s32 @!p1 $0xFFFFC000  }
0xb8: {  	v1 =	vld [tilespmem:s26+$0x80];
	_ =	sdelay $0x4  }
0xb9: {  	v2 =	vand.u32 $0x3FFF, v1;
	v1 =	vshrl.u32 v1, $0xE  }
0xba: {  	[tilespmem:$0x2880] =	vst v2  }
0xbb: {  	[tilespmem:$0x2980] =	vst v1  }
0xbc: {  	v1 =	vld [tilespmem:s26+$0x90];
	_ =	sdelay $0x4  }
0xbd: {  	v2 =	vand.u32 $0x3FFF, v1;
	v1 =	vshrl.u32 v1, $0xE  }
0xbe: {  	[tilespmem:$0x2890] =	vst v2  }
0xbf: {  	[tilespmem:$0x2990] =	vst v1  }
0xc0: {  	v1 =	vld [tilespmem:s26+$0xA0];
	_ =	sdelay $0x4  }
0xc1: {  	v2 =	vand.u32 $0x3FFF, v1;
	v1 =	vshrl.u32 v1, $0xE  }
0xc2: {  	[tilespmem:$0x28A0] =	vst v2  }
0xc3: {  	[tilespmem:$0x29A0] =	vst v1  }
0xc4: {  	v1 =	vld [tilespmem:s26+$0xB0];
	_ =	sdelay $0x4  }
0xc5: {  	v2 =	vand.u32 $0x3FFF, v1;
	v1 =	vshrl.u32 v1, $0xE  }
0xc6: {  	[tilespmem:$0x28B0] =	vst v2  }
0xc7: {  	[tilespmem:$0x29B0] =	vst v1  }
0xc8: {  	v1 =	vld [tilespmem:s26+$0xC0];
	_ =	sdelay $0x4  }
0xc9: {  	v2 =	vand.u32 $0x3FFF, v1;
	v1 =	vshrl.u32 v1, $0xE  }
0xca: {  	[tilespmem:$0x28C0] =	vst v2  }
0xcb: {  	[tilespmem:$0x29C0] =	vst v1  }
0xcc: {  	v1 =	vld [tilespmem:s26+$0xD0];
	_ =	sdelay $0x3  }
.Ltmp1:
0xcd: {  	(pc) =	sbr.rel @p0 .LBB2_4-.Ltmp1, $4  }
0xce: {  	v2 =	vand.u32 $0x3FFF, v1;
	v1 =	vshrl.u32 v1, $0xE  }
0xcf: {  	[tilespmem:$0x28D0] =	vst v2  }
0xd0: {  	[tilespmem:$0x29D0] =	vst v1  }
0xd1: {  	v1 =	vld [tilespmem:s26+$0xE0]  }
0xd2: {  	_ =	sdelay $0x3  }
0xd3: {  	v2 =	vand.u32 $0x3FFF, v1  }
0xd4: {  	v1 =	vshrl.u32 v1, $0xE;
	[tilespmem:$0x28E0] =	vst v2  }
0xd5: {  	[tilespmem:$0x29E0] =	vst v1  }
0xd6: {  	v1 =	vld [tilespmem:s26+$0xF0];
	_ =	sdelay $0x4  }
0xd7: {  	v2 =	vand.u32 $0x3FFF, v1  }
0xd8: {  	v1 =	vshrl.u32 v1, $0xE;
	[tilespmem:$0x28F0] =	vst v2  }
0xd9: {  	[tilespmem:$0x29F0] =	vst v1  }
0xda: {  	[tilespmem:s18], [sflag:$0x2] =	stream.indirect.gather [hbm4b:s2+s15], $0x80, s17, s15, $0xb8;
	[tilespmem:$0x1EA00] =	vst v63  }
0xdb: {  	_ =	swait.ge [sflag:s19], $0x4000  }
0xdc: {  	[sflag:s19] =	ssyncset.done $0x0  }
0xdd: {  	[sflag:s19] =	ssyncadd.s32 $0xFFFFC000  }
0xde: {  	[spmem:s3] =	stream.indirect.scatter.add.f32 [tilespmem:s14], [sflag:$0x3], $0x80, s20, s15, $0xb8;
	[tilespmem:$0x1EA00] =	vst v63  }
0xdf: {  	_ =	swait.ge [sflag:s21], $0x4000  }
0xe0: {  	[sflag:s21] =	ssyncset.done $0x0  }
0xe1: {  	[sflag:s21] =	ssyncadd.s32 $0xFFFFC000  }
0xe2: {  	[spmem:s3] =	stream.indirect.scatter.add.f32 [tilespmem:s18], [sflag:$0x4], $0x80, s22, s15, $0xb8;
	[tilespmem:$0x1EA00] =	vst v63  }
0xe3: {  	_ =	swait.ge [sflag:s23], $0x4000  }
0xe4: {  	[sflag:s23] =	ssyncset.done $0x0  }
0xe5: {  	[sflag:s23] =	ssyncadd.s32 $0xFFFFC000  }
0xe6: {  	_ =	swait.ge [sflag:s24], $0x4000  }
0xe7: {  	s1 =	sshll.u32 s0, $0x6;
	s25 =	sadd.s32 $0x1, s25;
	[sflag:s24] =	ssyncset.done $0x0  }
0xe8: {  	s31 =	sshrl.u32 s5, $0x3;
	p0 =	sne.s32 s25, s12;
	[sflag:s24] =	ssyncadd.s32 $0xFFFFC000  }
.Ltmp2:
0xe9: {  	s1 =	sor.u32 $0x1C05, s1;
	[bflag:$0x0] =	sbarrier.arrive $0xFFFF;
	(pc) =	sbr.rel @p0 .LBB2_1-.Ltmp2, $4  }
0xea: {  	[hbm:s11], [sflag:s1] =	dma.local [spmem:s31], $0x2800  }
0xeb: {  	_ =	swait.ge [sflag:s13], $0x2800  }
0xec: {  	[sflag:s13] =	ssyncset.done $0x0  }
0xed: {  	[sflag:s13] =	ssyncadd.s32 $0xFFFFD800  }
0xee: {  	_ =	sfence.sel $0x180000  }
0xef: {  	[bflag:$0x0] =	sbarrier.arrive $0xFFFF  }
0xf0: {  	_ =	strace $0x9000004D  }
0xf1: {  	[bflag:$0x2] =	sbarrier.arrive $0xFFFF  }
0xf2: {  	p0 =	sne.s32 s0, $0x0;
	s0 =	rddreg [dreg:$0x3]  }
0xf3: {  	s0 =	sadd.s32 @!p0 $0x100000, s0  }
0xf4: {  	[sflag:s0] =	ssyncadd.tile.s32 @!p0 $0x1;
	_ =	shalt  }
.Lfunc_end2:
_tile_overlayer_lowered:
.L_overlay_start_2:
0xf5: {  	(tag) =	ssettag $0x2  }
0xf6: {  	s0 =	rddreg [dreg:$0x0];
	s2 =	stileid.u32  }
0xf7: {  	s1 =	rddreg [dreg:$0x1];
	p0 =	sne.s32 s2, $0x0  }
0xf8: {  	s3 =	rddreg [dreg:$0x2];
	[bflag:$0x3] =	sbarrier.arrive $0xFFFF;
	s2 =	simm.s32 @!p0 $0x1C05  }
0xf9: {  	[timem:s3], [sflag:s2] =	dma.local @!p0 [hbm:s0], s1  }
0xfa: {  	s0 =	simm.s32 @!p0 $0x5  }
0xfb: {  	_ =	swait.ge @!p0 [sflag:s0], s1  }
0xfc: {  	s1 =	ssub.s32 @!p0 $0x0, s1;
	[sflag:s0] =	ssyncset.done @!p0 $0x0  }
0xfd: {  	[sflag:s0] =	ssyncadd.s32 @!p0 s1  }
0xfe: {  	[bflag:$0x3] =	sbarrier.arrive $0xFFFF  }
0xff: {  	_ =	shalt  }

// kernel: kernel.7.cloned.1.call-start
scs
__scs_entry_jumppad:
0x0: {  	(pc) =	sbr.rel $0x88, $3  }
0x1: {  	(tag) =	ssettag $0x0;
	lr =	simm.s32 $0x1  }
0x2: {  	[smem:$0x3F9D] =	sst lr;
	_ =	strace $0xD0000000  }
0x3: {  	_ = 	snop  }
0x4: {  	_ = 	snop  }
0x5: {  	_ = 	snop  }
0x6: {  	_ = 	snop  }
0x7: {  	_ = 	snop  }
__scs_overlays_trampoline_lowered:
0x8: {  	[smem:$0x3FAC] =	sst s0  }
0x9: {  	[smem:$0x3FAD] =	sst s1  }
0xa: {  	[smem:$0x3FAE] =	sst s2  }
0xb: {  	[smem:$0x3FAF] =	sst s3  }
0xc: {  	[smem:$0x3FB0] =	sst s4  }
0xd: {  	[smem:$0x3FB1] =	sst s5  }
0xe: {  	[smem:$0x3FB2] =	sst s6  }
0xf: {  	[smem:$0x3FB3] =	sst s7  }
0x10: {  	[smem:$0x3FB4] =	sst s8  }
0x11: {  	[smem:$0x3FB5] =	sst s9;
	s0 =	simm.s32 @!p0 $0x0  }
0x12: {  	s1 =	sld [smem:$0x3F9B];
	s0 =	simm.s32 @p0 $0x1  }
0x13: {  	[smem:$0x3FB6] =	sst s0;
	s0 =	simm.s32 @!p1 $0x0  }
0x14: {  	s2 =	sld [smem:$0x3F9A];
	s0 =	simm.s32 @p1 $0x1  }
0x15: {  	[smem:$0x3FB7] =	sst s0;
	s0 =	simm.s32 @!p2 $0x0  }
0x16: {  	s3 =	sld [smem:$0x3FDB];
	s0 =	simm.s32 @p2 $0x1  }
0x17: {  	s4 =	simm.s32 $0x1BF5;
	[smem:$0x3FB9] =	sst s0  }
0x18: {  	s0 =	sld [smem:$0x3F9C];
	_ =	swait.ge [sflag:s4], $0x0  }
0x19: {  	s7 =	sld [smem:$0x3F9D]  }
0x1a: {  	s8 =	sadd.s32 $0xFFFFE003, lr  }
0x1b: {  	s9 =	sadd.s32 $0xFFFFFEF7, lr;
	s5 =	simm.s32 $0xFFFFFFFF;
	p2 =	slt.u32 s8, $0xFFFFF086  }
0x1c: {  	p1 =	slt.u32 s9, $0xF7A;
	s5 =	simm.s32 @!p2 $0x0  }
0x1d: {  	s5 =	simm.s32 @p1 $0x1;
	p0 =	seq.s32 s7, s2  }
0x1e: {  	s7 =	smul.u32 @!p0 $0xF7A, s2;
	p2 =	seq.s32 @!p0 s5, $0x0  }
0x1f: {  	s9 =	smul.u32 $0xF7A, s1;
	s8 =	simm.s32 @!p0 $0x1BF5;
	p2 =	por !p2, p0  }
0x20: {  	[sflag:s8] =	ssyncset.s32 @!p0 $0xFFFFF086;
	s6 =	sadd.s32 @!p0 s3, s7;
	s7 =	simm.s32 @!p0 $0x108  }
0x21: {  	s3 =	sadd.s32 s3, s9;
	s6 =	sadd.s32 @!p0 $0x88, s6;
	s7 =	simm.s32 @p2 $0x1082  }
0x22: {  	[simem:s7], [sflag:s8] =	dma.local @!p0 [hbm:s6], $0xF7A  }
0x23: {  	s9 =	sor.u32 $0xD0000000, s2;
	s6 =	simm.s32 $0x108;
	_ =	swait.ge @!p0 [sflag:s8], $0x0  }
0x24: {  	s3 =	sadd.s32 $0x88, s3;
	s6 =	simm.s32 @!p1 $0x1082;
	[sflag:s4] =	ssyncset.s32 $0xFFFFF086  }
0x25: {  	[simem:s6], [sflag:s4] =	dma.local [hbm:s3], $0xF7A  }
0x26: {  	[smem:$0x3F9D] =	sst s1;
	(tag) =	ssettag s2;
	_ =	strace s9  }
0x27: {  	s1 =	sld [smem:$0x3FAD]  }
0x28: {  	s2 =	sld [smem:$0x3FAE]  }
0x29: {  	s4 =	sld [smem:$0x3FB0]  }
0x2a: {  	p0 =	seq.s32 s5, $0x0;
	s5 =	sld [smem:$0x3FB1]  }
0x2b: {  	s6 =	sld [smem:$0x3FB2]  }
0x2c: {  	s7 =	sld [smem:$0x3FB3]  }
0x2d: {  	s3 =	simm.s32 $0x108;
	s8 =	sld [smem:$0x3FB4]  }
0x2e: {  	s3 =	simm.s32 @!p0 $0x1082;
	s9 =	sld [smem:$0x3FB5]  }
0x2f: {  	lr =	sadd.s32 s0, s3;
	s0 =	sld [smem:$0x3FAC]  }
0x30: {  	s3 =	sld [smem:$0x3FAF]  }
0x31: {  	[smem:$0x3FB8] =	sst s10  }
0x32: {  	s10 =	sld [smem:$0x3FB6];
	_ =	sdelay $0x3  }
0x33: {  	p0 =	seq.s32 s10, $0x1;
	s10 =	sld [smem:$0x3FB8];
	_ =	sdelay $0x3  }
0x34: {  	[smem:$0x3FB8] =	sst s10  }
0x35: {  	s10 =	sld [smem:$0x3FB7];
	_ =	sdelay $0x3  }
0x36: {  	p1 =	seq.s32 s10, $0x1;
	s10 =	sld [smem:$0x3FB8];
	_ =	sdelay $0x3  }
0x37: {  	[smem:$0x3FB8] =	sst s10  }
0x38: {  	s10 =	sld [smem:$0x3FB9]  }
0x39: {  	_ = 	snop;
	(pc) =	sbr.ind lr, $3  }
0x3a: {  	_ = 	snop  }
0x3b: {  	_ = 	snop  }
0x3c: {  	p2 =	seq.s32 s10, $0x1;
	s10 =	sld [smem:$0x3FB8]  }
0x3d: {  	_ =	shalt  }
0x3e: {  	_ =	shalt  }
0x3f: {  	_ =	shalt  }
0x40: {  	_ =	shalt  }
0x41: {  	_ =	shalt  }
0x42: {  	_ =	shalt  }
0x43: {  	_ =	shalt  }
0x44: {  	_ =	shalt  }
0x45: {  	_ =	shalt  }
0x46: {  	_ =	shalt  }
0x47: {  	_ =	shalt  }
0x48: {  	_ =	shalt  }
0x49: {  	_ =	shalt  }
0x4a: {  	_ =	shalt  }
0x4b: {  	_ =	shalt  }
0x4c: {  	_ =	shalt  }
0x4d: {  	_ =	shalt  }
0x4e: {  	_ =	shalt  }
0x4f: {  	_ =	shalt  }
0x50: {  	_ =	shalt  }
0x51: {  	_ =	shalt  }
0x52: {  	_ =	shalt  }
0x53: {  	_ =	shalt  }
0x54: {  	_ =	shalt  }
0x55: {  	_ =	shalt  }
0x56: {  	_ =	shalt  }
0x57: {  	_ =	shalt  }
0x58: {  	_ =	shalt  }
0x59: {  	_ =	shalt  }
0x5a: {  	_ =	shalt  }
0x5b: {  	_ =	shalt  }
0x5c: {  	_ =	shalt  }
0x5d: {  	_ =	shalt  }
0x5e: {  	_ =	shalt  }
0x5f: {  	_ =	shalt  }
0x60: {  	_ =	shalt  }
0x61: {  	_ =	shalt  }
0x62: {  	_ =	shalt  }
0x63: {  	_ =	shalt  }
0x64: {  	_ =	shalt  }
0x65: {  	_ =	shalt  }
0x66: {  	_ =	shalt  }
0x67: {  	_ =	shalt  }
0x68: {  	_ =	shalt  }
0x69: {  	_ =	shalt  }
0x6a: {  	_ =	shalt  }
0x6b: {  	_ =	shalt  }
0x6c: {  	_ =	shalt  }
0x6d: {  	_ =	shalt  }
0x6e: {  	_ =	shalt  }
0x6f: {  	_ =	shalt  }
0x70: {  	_ =	shalt  }
0x71: {  	_ =	shalt  }
0x72: {  	_ =	shalt  }
0x73: {  	_ =	shalt  }
0x74: {  	_ =	shalt  }
0x75: {  	_ =	shalt  }
0x76: {  	_ =	shalt  }
0x77: {  	_ =	shalt  }
0x78: {  	_ =	shalt  }
0x79: {  	_ =	shalt  }
0x7a: {  	_ =	shalt  }
0x7b: {  	_ =	shalt  }
0x7c: {  	_ =	shalt  }
0x7d: {  	_ =	shalt  }
0x7e: {  	_ =	shalt  }
0x7f: {  	_ =	shalt  }
0x80: {  	_ =	shalt  }
0x81: {  	_ =	shalt  }
0x82: {  	_ =	shalt  }
0x83: {  	_ =	shalt  }
0x84: {  	_ =	shalt  }
0x85: {  	_ =	shalt  }
0x86: {  	_ =	shalt  }
0x87: {  	_ =	shalt  }
.Lfunc_end0:
.L_simem_size_0:
called_computation_lowered:
.L_overlay_start_0:
0x88: {  	s2 =	sld [smem:$0x3FD9]  }
0x89: {  	s3 =	sld [smem:$0x3FFE];
	_ =	sdelay $0x1  }
0x8a: {  	s1 =	srdreg.scid  }
0x8b: {  	s0 =	sand.u32 $0x1, s1  }
0x8c: {  	s18 =	sshll.u32 s0, $0xA;
	s2 =	sadd.s32 s3, s2  }
0x8d: {  	s2 =	sadd.s32 s2, s18  }
0x8e: {  	[smem:$0x3FC4] =	sst s2  }
0x8f: {  	_ = 	snop  }
0x90: {  	s2 =	sld [smem:$0x3FC8]  }
0x91: {  	s19 =	sld [smem:$0x3FD0];
	(tm) =	ssettm $0x1  }
0x92: {  	s4 =	sld [smem:$0x3FFB];
	_ =	sdelay $0x3  }
0x93: {  	_ =	strace s4  }
0x94: {  	s4 =	sld [smem:$0x3FFC];
	_ =	sdelay $0x3  }
0x95: {  	_ =	strace s4  }
0x96: {  	s4 =	sld [smem:$0x3FFD];
	_ =	sdelay $0x3  }
0x97: {  	_ =	strace s4  }
0x98: {  	_ =	strace $0x8FFFFFFF  }
0x99: {  	s20 =	sld [smem:$0x3FDB];
	_ =	sdelay $0x1  }
0x9a: {  	s5 =	simm.s32 $_scs_section_size  }
0x9b: {  	s6 =	simm.s32 $_size__tile_overlayer_lowered;
	s7 =	simm.s32 $_tile_overlayer_lowered  }
0x9c: {  	s23 =	simm.s32 $0x1BFF;
	s22 =	sshll.u32 s7, $0x1;
	s4 =	sadd.s32 s5, s20  }
0x9d: {  	s8 =	simm.s32 $0x0;
	s21 =	sshll.u32 s6, $0x1;
	s6 =	sadd.s32 s22, s4  }
0x9e: {  	[timem:s8], [sflag:s23] =	dma.local [hbm:s6], s21  }
0x9f: {  	_ =	swait.ge [sflag:s23], s21  }
0xa0: {  	s5 =	ssub.s32 $0x0, s21;
	[sflag:s23] =	ssyncset.done $0x0  }
0xa1: {  	[sflag:s23] =	ssyncadd.s32 s5;
	_ =	sdelay $0x1  }
0xa2: {  	s24 =	simm.s32 $0x1B8B  }
0xa3: {  	_ =	swait.ge [sflag:s24], $0x1  }
0xa4: {  	[sflag:s24] =	ssyncset.done $0x0  }
0xa5: {  	s25 =	simm.s32 $0x1B8E;
	[sflag:s24] =	ssyncadd.s32 $0xFFFFFFFF  }
0xa6: {  	s26 =	simm.s32 $execute0_lowered;
	[smem:$0x3FD2] =	sst s25  }
0xa7: {  	s5 =	sshll.u32 s26, $0x1;
	_ =	strace $0x80000046;
	[dreg:$0x1] =	wrdreg $0xFFFFFFFF  }
0xa8: {  	s28 =	simm.s32 $_size_execute0_lowered;
	s4 =	sadd.s32 s4, s5;
	[dreg:$0x0] =	wrdreg $0x0  }
0xa9: {  	s5 =	sshll.u32 s28, $0x1;
	[dreg:$0x2] =	wrdreg s4  }
0xaa: {  	[dreg:$0x3] =	wrdreg s5  }
0xab: {  	[dreg:$0x4] =	wrdreg $0xC0  }
0xac: {  	_ =	task [dreg:s8], $0x5FFFF  }
0xad: {  	[dreg:$0x1] =	wrdreg $0xFFFFFFFF  }
0xae: {  	[dreg:$0x0] =	wrdreg $0x60  }
0xaf: {  	[dreg:$0x2] =	wrdreg s2  }
0xb0: {  	[dreg:$0x3] =	wrdreg s19  }
0xb1: {  	[dreg:$0x4] =	wrdreg $0x9  }
0xb2: {  	_ =	task.clear_ibuf [dreg:s8], $0x5FFFF;
	_ =	strace $0x90000046  }
0xb3: {  	s29 =	simm.s32 $0x9;
	_ =	strace $0x80000048  }
0xb4: {  	_ =	swait.ge [sflag:s29], $0x1  }
0xb5: {  	[sflag:s29] =	ssyncadd.s32 $0xFFFFFFFF  }
0xb6: {  	_ =	strace $0x90000048  }
0xb7: {  	_ =	sfence  }
0xb8: {  	s30 =	sld [smem:$0x0];
	_ =	sdelay $0x2  }
0xb9: {  	s31 =	sshll.u32 s1, $0xD;
	s1 =	sshrl.u32 s1, $0x2  }
0xba: {  	s3 =	sand.u32 $0x4000, s31;
	s1 =	sadd.s32 s1, s30  }
0xbb: {  	s0 =	sor.u32 s3, s0;
	s1 =	sshll.u32 s1, $0x11  }
0xbc: {  	s0 =	sor.u32 s1, s0  }
0xbd: {  	s0 =	sadd.s32 $0x8F2B, s0  }
0xbe: {  	[sflag:s0] =	ssyncadd.remote.s32 $0x1  }
0xbf: {  	_ =	sfence.sel $0xFFFF  }
0xc0: {  	[dreg:$0x0] =	wrdreg $0xFFFFFFFF;
	(pc) =	sbr.abs _section_cstart, $3  }
0xc1: {  	[dreg:$0x1] =	wrdreg $0xFFFFFFFF  }
0xc2: {  	_ =	task.clear_ibuf [dreg:s8], $0x2FFFF;
	_ =	strace $0x9FFFFFFF  }
0xc3: {  	(tm) =	ssettm $0x7FFFFFFF  }
tec
execute0_lowered:
.L_overlay_start_1:
0x0: {  	(tag) =	ssettag $0x1  }
0x1: {  	s4 =	rddreg [dreg:$0x0]  }
0x2: {  	s0 =	srdreg.scid;
	s5 =	rddreg [dreg:$0x1]  }
0x3: {  	s1 =	stileid.u32;
	s11 =	simm.s32 $0x400;
	s3 =	sand.u32 $0x1, s0  }
0x4: {  	s0 =	rddreg [dreg:$0x2];
	s9 =	sshll.u32 s1, $0x7;
	s2 =	sshll.u32 s3, $0x4  }
0x5: {  	s3 =	ssub.s32 $0x2, s3;
	s9 =	sand.u32 $0x380, s9;
	s7 =	sor.u32 s1, s2  }
0x6: {  	s2 =	simm.s32 $0x0;
	s6 =	smul.u32 $0xA00, s7;
	s8 =	sshrl.u32 s7, $0x3  }
0x7: {  	s10 =	sshrl.u32 s3, $0x1;
	[smem:$0x7FF] =	sst s2;
	s8 =	smul.u32 $0x14000, s8  }
.Ltmp0:
0x8: {  	s30 =	ssub.s32 s3, s10;
	p0 =	seq.s32 s7, $0x1F;
	(pc) =	sbr.rel .LBB2_1-.Ltmp0, $4  }
0x9: {  	s7 =	simm.s32 $0x80;
	s10 =	simm.s32 $0x2800;
	_ =	strace $0x80000047  }
0xa: {  	s6 =	sadd.s32 s6, s4;
	s4 =	sadd.s32 $0x13610, s4;
	s8 =	sor.u32 s9, s8  }
0xb: {  	s3 =	sadd.s32 $0x10, s6;
	s6 =	smax.u32 s30, $0x1;
	s31 =	sshrl.u32 s8, $0x3  }
0xc: {  	v0 =	vimm.f32 $0.0e+00;
	v1 =	vimm.f32 $1.000000000e+00;
	s9 =	simm.s32 $0x1;
	s8 =	simm.s32 $0x100;
	s5 =	sadd.s32 s5, s31  }
.LBB2_6:
0xd: {  	v2 =	vld [tilespmem:s13+$0x0];
	_ =	sdelay $0x7  }
0xe: {  	[tilespmem:v2+s10+$0x0] =	vst.idx.add.f32.msk $0xffff, v1  }
.LBB2_10:
0xf: {  	s2 =	sadd.s32 $0x1, s2  }
0x10: {  	p1 =	sne.s32 s2, s6  }
.Ltmp1:
0x11: {  	_ = 	snop;
	(pc) =	sbr.rel @!p1 .LBB2_11-.Ltmp1, $4  }
0x12: {  	[hbm4b:s5+s7] =	stream.strided.scatter [tilespmem:s10], [sflag:$0x1], $0x2800, s11, s7, $0x38;
	[tilespmem:$0x5000] =	vst v63  }
0x13: {  	_ =	swait.ge [sflag:s9], $0x2800  }
0x14: {  	[sflag:s9] =	ssyncset.done $0x0  }
0x15: {  	[sflag:s9] =	ssyncadd.s32 $0xFFFFD800  }
.LBB2_1:
0x16: {  	s12 =	simm.s32 $0x40;
	s13 =	simm.s32 $0x0  }
.LBB2_2:
0x17: {  	p1 =	sne.s32 s12, $0x9FC0;
	[tilespmem:s13+$0x2800] =	vst v0;
	s13 =	smov.u32 s12;
	s12 =	sadd.s32 $0x40, s12  }
.Ltmp2:
0x18: {  	(pc) =	sbr.rel @p1 .LBB2_2-.Ltmp2, $2  }
0x19: {  	_ =	sdelay $0x2  }
0x1a: {  	s13 =	sshra.s32 s13, $0x2  }
.Ltmp3:
0x1b: {  	(pc) =	sbr.rel @!p0 .LBB2_4-.Ltmp3, $2  }
0x1c: {  	_ =	sdelay $0x2  }
0x1d: {  	[tilespmem:s13+$0x2800] =	vst v0;
	s12 =	simm.s32 $0x0  }
0x1e: {  	[tilespmem:s12], [sflag:$0x1] =	stream.strided.gather [hbm4b:s4+s7], $0xA00, s8, s7, $0x38;
	[tilespmem:$0x5000] =	vst v63  }
0x1f: {  	_ =	swait.ge [sflag:s9], $0xA00  }
0x20: {  	[sflag:s9] =	ssyncset.done $0x0  }
0x21: {  	s13 =	simm.s32 $0x0;
	s12 =	simm.s32 $0x40;
	[sflag:s9] =	ssyncadd.s32 $0xFFFFF600  }
.LBB2_8:
0x22: {  	p1 =	sne.s32 s12, $0x27C0;
	v2 =	vld [tilespmem:s13+$0x0];
	_ =	sdelay $0x3  }
.Ltmp4:
0x23: {  	(pc) =	sbr.rel @p1 .LBB2_8-.Ltmp4, $2  }
0x24: {  	_ =	sdelay $0x2  }
0x25: {  	s13 =	sshra.s32 s12, $0x2;
	s12 =	sadd.s32 $0x40, s12;
	[tilespmem:v2+s10+$0x0] =	vst.idx.add.f32.msk $0xffff, v1  }
0x26: {  	v2 =	vld [tilespmem:s13+$0x0];
	_ =	sdelay $0x3  }
.Ltmp5:
0x27: {  	_ = 	snop;
	(pc) =	sbr.rel .LBB2_10-.Ltmp5, $2  }
0x28: {  	_ =	sdelay $0x2  }
0x29: {  	[tilespmem:v2+s10+$0x0] =	vst.idx.add.f32.msk $0xffff, v1  }
.LBB2_4:
0x2a: {  	[tilespmem:s12], [sflag:$0x1] =	stream.strided.gather [hbm4b:s3+s7], $0x2800, s8, s7, $0x38;
	[tilespmem:$0x5000] =	vst v63  }
0x2b: {  	_ =	swait.ge [sflag:s9], $0x2800  }
0x2c: {  	[sflag:s9] =	ssyncset.done $0x0  }
0x2d: {  	s13 =	simm.s32 $0x0;
	s12 =	simm.s32 $0x40;
	[sflag:s9] =	ssyncadd.s32 $0xFFFFD800  }
.LBB2_5:
0x2e: {  	p1 =	seq.s32 s12, $0x9FC0;
	v2 =	vld [tilespmem:s13+$0x0];
	_ =	sdelay $0x3  }
.Ltmp6:
0x2f: {  	(pc) =	sbr.rel @!p1 .LBB2_5-.Ltmp6, $2  }
0x30: {  	_ =	sdelay $0x2  }
0x31: {  	s13 =	sshra.s32 s12, $0x2;
	s12 =	sadd.s32 $0x40, s12;
	[tilespmem:v2+s10+$0x0] =	vst.idx.add.f32.msk $0xffff, v1  }
.Ltmp7:
0x32: {  	_ = 	snop;
	(pc) =	sbr.rel .LBB2_6-.Ltmp7, $1  }
0x33: {  	_ =	sdelay $0x3  }
.LBB2_11:
0x34: {  	_ =	sfence.sel $0x180000  }
0x35: {  	[bflag:$0x0] =	sbarrier.arrive $0xFFFF  }
0x36: {  	p0 =	sne.s32 s1, $0x0;
	_ =	strace $0x90000047  }
0x37: {  	s0 =	sadd.s32 @!p0 $0x100000, s0;
	[bflag:$0x2] =	sbarrier.arrive $0xFFFF  }
0x38: {  	[sflag:s0] =	ssyncadd.tile.s32 @!p0 $0x1;
	_ =	shalt  }
.Lfunc_end2:
_tile_overlayer_lowered:
.L_overlay_start_2:
0x39: {  	(tag) =	ssettag $0x2  }
0x3a: {  	s0 =	rddreg [dreg:$0x0];
	s2 =	stileid.u32  }
0x3b: {  	s1 =	rddreg [dreg:$0x1];
	p0 =	sne.s32 s2, $0x0  }
0x3c: {  	s3 =	rddreg [dreg:$0x2];
	[bflag:$0x3] =	sbarrier.arrive $0xFFFF;
	s2 =	simm.s32 @!p0 $0x1C01  }
0x3d: {  	[timem:s3], [sflag:s2] =	dma.local @!p0 [hbm:s0], s1  }
0x3e: {  	s0 =	simm.s32 @!p0 $0x1  }
0x3f: {  	_ =	swait.ge @!p0 [sflag:s0], s1  }
0x40: {  	s1 =	ssub.s32 @!p0 $0x0, s1;
	[sflag:s0] =	ssyncset.done @!p0 $0x0  }
0x41: {  	[sflag:s0] =	ssyncadd.s32 @!p0 s1  }
0x42: {  	[bflag:$0x3] =	sbarrier.arrive $0xFFFF  }
0x43: {  	_ =	shalt  }

</sc_bundles>
